<compile_context>
chip_gen: v7x
topology: tpu7x:2x2x1
jax: 0.10.2.dev20260603
libtpu: 0.0.44.dev20260713+nightly
codegen_flags: <defaults>
</compile_context>

<pallas_src>
import functools

import jax
import jax.numpy as jnp
from jax import lax
from jax.experimental import pallas as pl
from jax.experimental.pallas import tpu as pltpu
from jax.experimental.pallas import tpu_sc as plsc

_NC, _NS, _L = 2, 16, 16
_NW = _NC * _NS

_BPC = 4
_NBUF = 4
_K = 2


@functools.lru_cache(maxsize=None)
def _build(S, B, D, VS):
    N = B * S
    GR = _BPC * S
    BPW = B // _NW
    RPW = BPW // _BPC
    CW = BPW * S
    PAT = S * _L
    NV = CW // _L
    assert B % (_NW * _BPC) == 0 and RPW % _NBUF == 0 and CW % PAT == 0

    mesh = plsc.VectorSubcoreMesh(core_axis_name="c", subcore_axis_name="s")

    @functools.partial(
        pl.kernel,
        mesh=mesh,
        out_type=jax.ShapeDtypeStruct((B, S, D), jnp.float32),
        compiler_params=pltpu.CompilerParams(
            use_tc_tiling_on_sc=False, needs_layout_passes=False
        ),
        scratch_types=[
            pltpu.VMEM((CW,), jnp.int32),
            pltpu.VMEM((PAT,), jnp.int32),
            pltpu.VMEM((_NBUF, GR, D), jnp.float32),
        ]
        + [pltpu.SemaphoreType.DMA] * (2 * _NBUF),
    )
    def k(table_hbm, in_hbm, pat_hbm, out_hbm, idx_v, pat_v, rows_v, *sems):
        gsem, wsem = sems[:_NBUF], sems[_NBUF:]
        wid = lax.axis_index("s") * _NC + lax.axis_index("c")
        b0 = wid * BPW

        pltpu.sync_copy(in_hbm.at[pl.ds(b0 * S, CW)], idx_v)
        pltpu.sync_copy(pat_hbm, pat_v)

        def fuse(j, carry):
            o = j * _L
            q = lax.rem(j, S) * _L
            idx_v[pl.ds(o, _L)] = idx_v[pl.ds(o, _L)] + pat_v[pl.ds(q, _L)]
            return carry

        lax.fori_loop(0, NV, fuse, 0)

        def gstart(c, b):
            pltpu.async_copy(
                table_hbm.at[idx_v.at[pl.ds(c * GR, GR)]], rows_v.at[b], gsem[b]
            )

        def gwait(c, b):
            pltpu.make_async_copy(
                table_hbm.at[idx_v.at[pl.ds(c * GR, GR)]], rows_v.at[b], gsem[b]
            ).wait()

        def wstart(c, b):
            for i in range(_BPC):
                pltpu.async_copy(
                    rows_v.at[b, pl.ds(i * S, S)],
                    out_hbm.at[b0 + c * _BPC + i],
                    wsem[b],
                )

        def wwait(c, b):
            for i in range(_BPC):
                pltpu.make_async_copy(
                    rows_v.at[b, pl.ds(i * S, S)],
                    out_hbm.at[b0 + c * _BPC + i],
                    wsem[b],
                ).wait()

        for g in range(_K):
            gstart(g, g)

        def group(o, carry):
            base = o * _NBUF
            for b in range(_NBUF):
                c = base + b
                gwait(c, b)
                wstart(c, b)
                g = c + _K
                bg = (b + _K) % _NBUF

                @pl.when(jnp.logical_and(g < RPW, g >= _NBUF))
                def _():
                    wwait(g - _NBUF, bg)

                @pl.when(g < RPW)
                def _():
                    gstart(g, bg)

            return carry

        lax.fori_loop(0, RPW // _NBUF, group, 0)
        for b in range(_NBUF):
            wwait(RPW - _NBUF + b, b)

    return k


def kernel(inputs, table):
    B, S = inputs.shape
    V, D = table.shape
    VS = V // S
    k = _build(S, B, D, VS)
    idx_flat = inputs.reshape(-1)
    pat = jnp.tile(jnp.arange(S, dtype=jnp.int32) * VS, _L)
    return k(table, idx_flat, pat)

# --- scband reference (transcript-rebuilt; emitter-appended) ---
"""Pipeline reference for scband-sokembedding-29162827939990 (READ-ONLY COPY).

The authoritative reference and input builder live on the scoring server;
editing this copy changes nothing except your own understanding.
"""

import jax, jax.numpy as jnp
import numpy as np

VOCAB_SIZES = [100000] * 26
EMBED_DIM = 32
BATCH = 16384
TOTAL_VOCAB = sum(VOCAB_SIZES)


def _prefix_sum():
    ps = np.concatenate([[0], np.cumsum(VOCAB_SIZES)[:-1]]).astype(np.int64)
    return ps.reshape(1, -1)


def setup_inputs(seed: int = 0) -> dict:
    key = jax.random.key(seed)
    k1, k2 = jax.random.split(key)
    inputs = jax.random.randint(k1, (BATCH, 26), 0, 100000, dtype=jnp.int32)
    table = jax.random.normal(k2, (TOTAL_VOCAB, EMBED_DIM), dtype=jnp.float32) * 0.01
    return {"inputs": inputs, "table": table}


def reference(inputs, table):
    # fused_inputs = inputs + vocab_prefix_sum (offset each slot into the fused table)
    prefix = jnp.asarray(_prefix_sum())
    fused = inputs.astype(jnp.int64) + prefix  # [B, 26]
    fused = fused.reshape(-1)  # [B*26]
    # sok.tf.unique: dedup lookups, then gather back
    u, inv = jnp.unique(fused, return_inverse=True, size=fused.shape[0], fill_value=0)
    emb = jnp.take(table, u, axis=0)          # embedding lookup on unique ids
    out = jnp.take(emb, inv.reshape(-1), axis=0)  # scatter back to original order
    return out.reshape(-1, len(VOCAB_SIZES), EMBED_DIM)

if __name__ == "__main__":
    import jax
    _d = setup_inputs()
    print(jax.jit(kernel)(*tuple(_d.values())))

</pallas_src>

<mosaic_0001>
#map = affine_map<(d0, d1) -> (0, 0)>
#map1 = affine_map<(d0, d1) -> (0)>
#map2 = affine_map<(d0, d1) -> (0, 0, 0)>
module attributes {stable_mosaic.version = 14 : i64} {
  func.func @k(%arg0: i32, %arg1: i32, %arg2: memref<2600000x32xf32, #tpu.memory_space<hbm>>, %arg3: memref<425984xi32, #tpu.memory_space<hbm>>, %arg4: memref<416xi32, #tpu.memory_space<hbm>>, %arg5: memref<16384x26x32xf32, #tpu.memory_space<hbm>>, %arg6: memref<13312xi32, #tpu.memory_space<vmem>>, %arg7: memref<416xi32, #tpu.memory_space<vmem>>, %arg8: memref<4x104x32xf32, #tpu.memory_space<vmem>>, %arg9: memref<!tpu.dma_semaphore, #tpu.memory_space<semaphore_mem>>, %arg10: memref<!tpu.dma_semaphore, #tpu.memory_space<semaphore_mem>>, %arg11: memref<!tpu.dma_semaphore, #tpu.memory_space<semaphore_mem>>, %arg12: memref<!tpu.dma_semaphore, #tpu.memory_space<semaphore_mem>>, %arg13: memref<!tpu.dma_semaphore, #tpu.memory_space<semaphore_mem>>, %arg14: memref<!tpu.dma_semaphore, #tpu.memory_space<semaphore_mem>>, %arg15: memref<!tpu.dma_semaphore, #tpu.memory_space<semaphore_mem>>, %arg16: memref<!tpu.dma_semaphore, #tpu.memory_space<semaphore_mem>>) attributes {dimension_semantics = [#tpu.dimension_semantics<core_parallel>, #tpu.dimension_semantics<subcore_parallel>], iteration_bounds = array<i64: 2, 16>, scalar_prefetch = 0 : i64, scratch_operands = 11 : i64, tpu.core_type = #tpu.core_type<sc_vector_subcore>, window_params = [{transform_indices = #map}, {transform_indices = #map1}, {transform_indices = #map1}, {transform_indices = #map2}]} {
    %mul3A = arith.constant 2 : i32
    %mul3A_0 = arith.muli %arg1, %mul3A : i32
    %add3A = arith.addi %mul3A_0, %arg0 : i32
    %mul3A_1 = arith.constant 512 : i32
    %mul3A_2 = arith.muli %add3A, %mul3A_1 : i32
    %mul3A_3 = arith.constant 26 : i32
    %mul3A_4 = arith.muli %mul3A_2, %mul3A_3 : i32
    "tpu.region"() ({
      %run_scoped3A = tpu.sem_alloc : memref<!tpu.dma_semaphore, #tpu.memory_space<semaphore_mem>>
      %dma_start3A_370 = tpu.memref_slice %arg3[%mul3A_4] : memref<425984xi32, #tpu.memory_space<hbm>> -> memref<13312xi32, #tpu.memory_space<hbm>>
      %dma_start3A_371 = tpu.memref_slice %arg3[%mul3A_4] : memref<425984xi32, #tpu.memory_space<hbm>> -> memref<13312xi32, #tpu.memory_space<hbm>>
      tpu.enqueue_dma source(%dma_start3A_371 : memref<13312xi32, #tpu.memory_space<hbm>>) target(%arg6 : memref<13312xi32, #tpu.memory_space<vmem>>) target_semaphore(%run_scoped3A : memref<!tpu.dma_semaphore, #tpu.memory_space<semaphore_mem>>)
      %dma_wait3A_372 = tpu.memref_slice %arg3[%mul3A_4] : memref<425984xi32, #tpu.memory_space<hbm>> -> memref<13312xi32, #tpu.memory_space<hbm>>
      %dma_wait3A_373 = tpu.memref_slice %arg3[%mul3A_4] : memref<425984xi32, #tpu.memory_space<hbm>> -> memref<13312xi32, #tpu.memory_space<hbm>>
      tpu.wait_dma2 semaphore(%run_scoped3A : memref<!tpu.dma_semaphore, #tpu.memory_space<semaphore_mem>>) src(%dma_wait3A_373 : memref<13312xi32, #tpu.memory_space<hbm>>) dst(%arg6 : memref<13312xi32, #tpu.memory_space<vmem>>)
      tpu.yield
    }) : () -> ()
    "tpu.region"() ({
      %run_scoped3A = tpu.sem_alloc : memref<!tpu.dma_semaphore, #tpu.memory_space<semaphore_mem>>
      tpu.enqueue_dma source(%arg4 : memref<416xi32, #tpu.memory_space<hbm>>) target(%arg7 : memref<416xi32, #tpu.memory_space<vmem>>) target_semaphore(%run_scoped3A : memref<!tpu.dma_semaphore, #tpu.memory_space<semaphore_mem>>)
      tpu.wait_dma2 semaphore(%run_scoped3A : memref<!tpu.dma_semaphore, #tpu.memory_space<semaphore_mem>>) src(%arg4 : memref<416xi32, #tpu.memory_space<hbm>>) dst(%arg7 : memref<416xi32, #tpu.memory_space<vmem>>)
      tpu.yield
    }) : () -> ()
    %scan3A = arith.constant 0 : i32
    %scan3A_5 = arith.constant 0 : i32
    %scan3A_6 = arith.constant 832 : i32
    %scan3A_7 = arith.addi %scan3A_5, %scan3A_6 : i32
    %scan3A_8 = arith.constant 1 : i32
    scf.for %scan3A_370 = %scan3A_5 to %scan3A_7 step %scan3A_8  : i32 {
      %mul3A_371 = arith.constant 16 : i32
      %mul3A_372 = arith.muli %scan3A_370, %mul3A_371 : i32
      %rem3A = arith.constant 26 : i32
      %rem3A_373 = arith.remsi %scan3A_370, %rem3A : i32
      %mul3A_374 = arith.constant 16 : i32
      %mul3A_375 = arith.muli %rem3A_373, %mul3A_374 : i32
      %get3A = arith.index_cast %mul3A_372 : i32 to index
      %get3A_376 = tpu.vector_load %arg6[%get3A] {strides = array<i32>} : memref<13312xi32, #tpu.memory_space<vmem>>, vector<16xi32>,
      %get3A_377 = arith.index_cast %mul3A_375 : i32 to index
      %get3A_378 = tpu.vector_load %arg7[%get3A_377] {strides = array<i32>} : memref<416xi32, #tpu.memory_space<vmem>>, vector<16xi32>,
      %add3A_379 = arith.addi %get3A_376, %get3A_378 : vector<16xi32>
      %swap3A = arith.index_cast %mul3A_372 : i32 to index
      %swap3A_380 = tpu.vector_load %arg6[%swap3A] {strides = array<i32>} : memref<13312xi32, #tpu.memory_space<vmem>>, vector<16xi32>,
      tpu.vector_store %arg6[%swap3A], %add3A_379 {strides = array<i32>} : memref<13312xi32, #tpu.memory_space<vmem>>, vector<16xi32>,
    }
    %scan3A_9 = arith.constant 832 : i32
    %dma_start3A = arith.constant 0 : i32
    %dma_start3A_10 = arith.constant 0 : i32
    %dma_start3A_11 = arith.constant 0 : i32
    %dma_start3A_12 = tpu.memref_slice %arg8[%dma_start3A, %dma_start3A_10, %dma_start3A_11] : memref<4x104x32xf32, #tpu.memory_space<vmem>> -> memref<1x104x32xf32, #tpu.memory_space<vmem>>
    %dma_start3A_13 = tpu.memref_squeeze %dma_start3A_12 : memref<1x104x32xf32, #tpu.memory_space<vmem>> -> memref<104x32xf32, #tpu.memory_space<vmem>>
    %dma_start3A_14 = arith.constant 0 : i32
    %dma_start3A_15 = tpu.memref_slice %arg6[%dma_start3A_14] : memref<13312xi32, #tpu.memory_space<vmem>> -> memref<104xi32, #tpu.memory_space<vmem>>
    %dma_start3A_16 = arith.constant 0 : i32
    %dma_start3A_17 = arith.constant 0 : i32
    %dma_start3A_18 = tpu.memref_slice %arg2[%dma_start3A_16, %dma_start3A_17] : memref<2600000x32xf32, #tpu.memory_space<hbm>> -> memref<2600000x32xf32, #tpu.memory_space<hbm>>
    tpu.enqueue_indirect_dma source(%dma_start3A_18 : memref<2600000x32xf32, #tpu.memory_space<hbm>>) target(%dma_start3A_13 : memref<104x32xf32, #tpu.memory_space<vmem>>) offsets(%dma_start3A_15 : memref<104xi32, #tpu.memory_space<vmem>>) semaphore(%arg9 : memref<!tpu.dma_semaphore, #tpu.memory_space<semaphore_mem>>)
    %dma_start3A_19 = arith.constant 1 : i32
    %dma_start3A_20 = arith.constant 0 : i32
    %dma_start3A_21 = arith.constant 0 : i32
    %dma_start3A_22 = tpu.memref_slice %arg8[%dma_start3A_19, %dma_start3A_20, %dma_start3A_21] : memref<4x104x32xf32, #tpu.memory_space<vmem>> -> memref<1x104x32xf32, #tpu.memory_space<vmem>>
    %dma_start3A_23 = tpu.memref_squeeze %dma_start3A_22 : memref<1x104x32xf32, #tpu.memory_space<vmem>> -> memref<104x32xf32, #tpu.memory_space<vmem>>
    %dma_start3A_24 = arith.constant 104 : i32
    %dma_start3A_25 = tpu.memref_slice %arg6[%dma_start3A_24] : memref<13312xi32, #tpu.memory_space<vmem>> -> memref<104xi32, #tpu.memory_space<vmem>>
    %dma_start3A_26 = arith.constant 0 : i32
    %dma_start3A_27 = arith.constant 0 : i32
    %dma_start3A_28 = tpu.memref_slice %arg2[%dma_start3A_26, %dma_start3A_27] : memref<2600000x32xf32, #tpu.memory_space<hbm>> -> memref<2600000x32xf32, #tpu.memory_space<hbm>>
    tpu.enqueue_indirect_dma source(%dma_start3A_28 : memref<2600000x32xf32, #tpu.memory_space<hbm>>) target(%dma_start3A_23 : memref<104x32xf32, #tpu.memory_space<vmem>>) offsets(%dma_start3A_25 : memref<104xi32, #tpu.memory_space<vmem>>) semaphore(%arg10 : memref<!tpu.dma_semaphore, #tpu.memory_space<semaphore_mem>>)
    %scan3A_29 = arith.constant 0 : i32
    %scan3A_30 = arith.constant 0 : i32
    %scan3A_31 = arith.constant 32 : i32
    %scan3A_32 = arith.addi %scan3A_30, %scan3A_31 : i32
    %scan3A_33 = arith.constant 1 : i32
    scf.for %scan3A_370 = %scan3A_30 to %scan3A_32 step %scan3A_33  : i32 {
      %mul3A_371 = arith.constant 4 : i32
      %mul3A_372 = arith.muli %scan3A_370, %mul3A_371 : i32
      %add3A_373 = arith.constant 0 : i32
      %add3A_374 = arith.addi %mul3A_372, %add3A_373 : i32
      %mul3A_375 = arith.constant 104 : i32
      %mul3A_376 = arith.muli %add3A_374, %mul3A_375 : i32
      %dma_wait3A_377 = arith.constant 0 : i32
      %dma_wait3A_378 = arith.constant 0 : i32
      %dma_wait3A_379 = arith.constant 0 : i32
      %dma_wait3A_380 = tpu.memref_slice %arg8[%dma_wait3A_377, %dma_wait3A_378, %dma_wait3A_379] : memref<4x104x32xf32, #tpu.memory_space<vmem>> -> memref<1x104x32xf32, #tpu.memory_space<vmem>>
      %dma_wait3A_381 = tpu.memref_squeeze %dma_wait3A_380 : memref<1x104x32xf32, #tpu.memory_space<vmem>> -> memref<104x32xf32, #tpu.memory_space<vmem>>
      %dma_wait3A_382 = tpu.memref_slice %arg6[%mul3A_376] : memref<13312xi32, #tpu.memory_space<vmem>> -> memref<104xi32, #tpu.memory_space<vmem>>
      %dma_wait3A_383 = arith.constant 0 : i32
      %dma_wait3A_384 = arith.constant 0 : i32
      %dma_wait3A_385 = tpu.memref_slice %arg2[%dma_wait3A_383, %dma_wait3A_384] : memref<2600000x32xf32, #tpu.memory_space<hbm>> -> memref<2600000x32xf32, #tpu.memory_space<hbm>>
      tpu.wait_indirect_dma semaphore(%arg9 : memref<!tpu.dma_semaphore, #tpu.memory_space<semaphore_mem>>) src(%dma_wait3A_385 : memref<2600000x32xf32, #tpu.memory_space<hbm>>) dst(%dma_wait3A_381 : memref<104x32xf32, #tpu.memory_space<vmem>>)
      %mul3A_386 = arith.constant 4 : i32
      %mul3A_387 = arith.muli %add3A_374, %mul3A_386 : i32
      %add3A_388 = arith.addi %mul3A_2, %mul3A_387 : i32
      %add3A_389 = arith.constant 0 : i32
      %add3A_390 = arith.addi %add3A_388, %add3A_389 : i32
      %dma_start3A_391 = arith.constant 0 : i32
      %dma_start3A_392 = arith.constant 0 : i32
      %dma_start3A_393 = arith.constant 0 : i32
      %dma_start3A_394 = tpu.memref_slice %arg8[%dma_start3A_391, %dma_start3A_392, %dma_start3A_393] : memref<4x104x32xf32, #tpu.memory_space<vmem>> -> memref<1x26x32xf32, #tpu.memory_space<vmem>>
      %dma_start3A_395 = tpu.memref_squeeze %dma_start3A_394 : memref<1x26x32xf32, #tpu.memory_space<vmem>> -> memref<26x32xf32, #tpu.memory_space<vmem>>
      %dma_start3A_396 = arith.constant 0 : i32
      %dma_start3A_397 = arith.constant 0 : i32
      %dma_start3A_398 = tpu.memref_slice %arg5[%add3A_390, %dma_start3A_396, %dma_start3A_397] : memref<16384x26x32xf32, #tpu.memory_space<hbm>> -> memref<1x26x32xf32, #tpu.memory_space<hbm>>
      %dma_start3A_399 = tpu.memref_squeeze %dma_start3A_398 : memref<1x26x32xf32, #tpu.memory_space<hbm>> -> memref<26x32xf32, #tpu.memory_space<hbm>>
      %dma_start3A_400 = arith.constant 0 : i32
      %dma_start3A_401 = arith.constant 0 : i32
      %dma_start3A_402 = tpu.memref_slice %arg5[%add3A_390, %dma_start3A_400, %dma_start3A_401] : memref<16384x26x32xf32, #tpu.memory_space<hbm>> -> memref<1x26x32xf32, #tpu.memory_space<hbm>>
      %dma_start3A_403 = tpu.memref_squeeze %dma_start3A_402 : memref<1x26x32xf32, #tpu.memory_space<hbm>> -> memref<26x32xf32, #tpu.memory_space<hbm>>
      %dma_start3A_404 = arith.constant 0 : i32
      %dma_start3A_405 = arith.constant 0 : i32
      %dma_start3A_406 = tpu.memref_slice %arg8[%dma_start3A_391, %dma_start3A_404, %dma_start3A_405] : memref<4x104x32xf32, #tpu.memory_space<vmem>> -> memref<1x26x32xf32, #tpu.memory_space<vmem>>
      %dma_start3A_407 = tpu.memref_squeeze %dma_start3A_406 : memref<1x26x32xf32, #tpu.memory_space<vmem>> -> memref<26x32xf32, #tpu.memory_space<vmem>>
      tpu.enqueue_dma source(%dma_start3A_407 : memref<26x32xf32, #tpu.memory_space<vmem>>) target(%dma_start3A_403 : memref<26x32xf32, #tpu.memory_space<hbm>>) target_semaphore(%arg13 : memref<!tpu.dma_semaphore, #tpu.memory_space<semaphore_mem>>)
      %mul3A_408 = arith.constant 4 : i32
      %mul3A_409 = arith.muli %add3A_374, %mul3A_408 : i32
      %add3A_410 = arith.addi %mul3A_2, %mul3A_409 : i32
      %add3A_411 = arith.constant 1 : i32
      %add3A_412 = arith.addi %add3A_410, %add3A_411 : i32
      %dma_start3A_413 = arith.constant 0 : i32
      %dma_start3A_414 = arith.constant 26 : i32
      %dma_start3A_415 = arith.constant 0 : i32
      %dma_start3A_416 = tpu.memref_slice %arg8[%dma_start3A_413, %dma_start3A_414, %dma_start3A_415] : memref<4x104x32xf32, #tpu.memory_space<vmem>> -> memref<1x26x32xf32, #tpu.memory_space<vmem>>
      %dma_start3A_417 = tpu.memref_squeeze %dma_start3A_416 : memref<1x26x32xf32, #tpu.memory_space<vmem>> -> memref<26x32xf32, #tpu.memory_space<vmem>>
      %dma_start3A_418 = arith.constant 0 : i32
      %dma_start3A_419 = arith.constant 0 : i32
      %dma_start3A_420 = tpu.memref_slice %arg5[%add3A_412, %dma_start3A_418, %dma_start3A_419] : memref<16384x26x32xf32, #tpu.memory_space<hbm>> -> memref<1x26x32xf32, #tpu.memory_space<hbm>>
      %dma_start3A_421 = tpu.memref_squeeze %dma_start3A_420 : memref<1x26x32xf32, #tpu.memory_space<hbm>> -> memref<26x32xf32, #tpu.memory_space<hbm>>
      %dma_start3A_422 = arith.constant 0 : i32
      %dma_start3A_423 = arith.constant 0 : i32
      %dma_start3A_424 = tpu.memref_slice %arg5[%add3A_412, %dma_start3A_422, %dma_start3A_423] : memref<16384x26x32xf32, #tpu.memory_space<hbm>> -> memref<1x26x32xf32, #tpu.memory_space<hbm>>
      %dma_start3A_425 = tpu.memref_squeeze %dma_start3A_424 : memref<1x26x32xf32, #tpu.memory_space<hbm>> -> memref<26x32xf32, #tpu.memory_space<hbm>>
      %dma_start3A_426 = arith.constant 26 : i32
      %dma_start3A_427 = arith.constant 0 : i32
      %dma_start3A_428 = tpu.memref_slice %arg8[%dma_start3A_413, %dma_start3A_426, %dma_start3A_427] : memref<4x104x32xf32, #tpu.memory_space<vmem>> -> memref<1x26x32xf32, #tpu.memory_space<vmem>>
      %dma_start3A_429 = tpu.memref_squeeze %dma_start3A_428 : memref<1x26x32xf32, #tpu.memory_space<vmem>> -> memref<26x32xf32, #tpu.memory_space<vmem>>
      tpu.enqueue_dma source(%dma_start3A_429 : memref<26x32xf32, #tpu.memory_space<vmem>>) target(%dma_start3A_425 : memref<26x32xf32, #tpu.memory_space<hbm>>) target_semaphore(%arg13 : memref<!tpu.dma_semaphore, #tpu.memory_space<semaphore_mem>>)
      %mul3A_430 = arith.constant 4 : i32
      %mul3A_431 = arith.muli %add3A_374, %mul3A_430 : i32
      %add3A_432 = arith.addi %mul3A_2, %mul3A_431 : i32
      %add3A_433 = arith.constant 2 : i32
      %add3A_434 = arith.addi %add3A_432, %add3A_433 : i32
      %dma_start3A_435 = arith.constant 0 : i32
      %dma_start3A_436 = arith.constant 52 : i32
      %dma_start3A_437 = arith.constant 0 : i32
      %dma_start3A_438 = tpu.memref_slice %arg8[%dma_start3A_435, %dma_start3A_436, %dma_start3A_437] : memref<4x104x32xf32, #tpu.memory_space<vmem>> -> memref<1x26x32xf32, #tpu.memory_space<vmem>>
      %dma_start3A_439 = tpu.memref_squeeze %dma_start3A_438 : memref<1x26x32xf32, #tpu.memory_space<vmem>> -> memref<26x32xf32, #tpu.memory_space<vmem>>
      %dma_start3A_440 = arith.constant 0 : i32
      %dma_start3A_441 = arith.constant 0 : i32
      %dma_start3A_442 = tpu.memref_slice %arg5[%add3A_434, %dma_start3A_440, %dma_start3A_441] : memref<16384x26x32xf32, #tpu.memory_space<hbm>> -> memref<1x26x32xf32, #tpu.memory_space<hbm>>
      %dma_start3A_443 = tpu.memref_squeeze %dma_start3A_442 : memref<1x26x32xf32, #tpu.memory_space<hbm>> -> memref<26x32xf32, #tpu.memory_space<hbm>>
      %dma_start3A_444 = arith.constant 0 : i32
      %dma_start3A_445 = arith.constant 0 : i32
      %dma_start3A_446 = tpu.memref_slice %arg5[%add3A_434, %dma_start3A_444, %dma_start3A_445] : memref<16384x26x32xf32, #tpu.memory_space<hbm>> -> memref<1x26x32xf32, #tpu.memory_space<hbm>>
      %dma_start3A_447 = tpu.memref_squeeze %dma_start3A_446 : memref<1x26x32xf32, #tpu.memory_space<hbm>> -> memref<26x32xf32, #tpu.memory_space<hbm>>
      %dma_start3A_448 = arith.constant 52 : i32
      %dma_start3A_449 = arith.constant 0 : i32
      %dma_start3A_450 = tpu.memref_slice %arg8[%dma_start3A_435, %dma_start3A_448, %dma_start3A_449] : memref<4x104x32xf32, #tpu.memory_space<vmem>> -> memref<1x26x32xf32, #tpu.memory_space<vmem>>
      %dma_start3A_451 = tpu.memref_squeeze %dma_start3A_450 : memref<1x26x32xf32, #tpu.memory_space<vmem>> -> memref<26x32xf32, #tpu.memory_space<vmem>>
      tpu.enqueue_dma source(%dma_start3A_451 : memref<26x32xf32, #tpu.memory_space<vmem>>) target(%dma_start3A_447 : memref<26x32xf32, #tpu.memory_space<hbm>>) target_semaphore(%arg13 : memref<!tpu.dma_semaphore, #tpu.memory_space<semaphore_mem>>)
      %mul3A_452 = arith.constant 4 : i32
      %mul3A_453 = arith.muli %add3A_374, %mul3A_452 : i32
      %add3A_454 = arith.addi %mul3A_2, %mul3A_453 : i32
      %add3A_455 = arith.constant 3 : i32
      %add3A_456 = arith.addi %add3A_454, %add3A_455 : i32
      %dma_start3A_457 = arith.constant 0 : i32
      %dma_start3A_458 = arith.constant 78 : i32
      %dma_start3A_459 = arith.constant 0 : i32
      %dma_start3A_460 = tpu.memref_slice %arg8[%dma_start3A_457, %dma_start3A_458, %dma_start3A_459] : memref<4x104x32xf32, #tpu.memory_space<vmem>> -> memref<1x26x32xf32, #tpu.memory_space<vmem>>
      %dma_start3A_461 = tpu.memref_squeeze %dma_start3A_460 : memref<1x26x32xf32, #tpu.memory_space<vmem>> -> memref<26x32xf32, #tpu.memory_space<vmem>>
      %dma_start3A_462 = arith.constant 0 : i32
      %dma_start3A_463 = arith.constant 0 : i32
      %dma_start3A_464 = tpu.memref_slice %arg5[%add3A_456, %dma_start3A_462, %dma_start3A_463] : memref<16384x26x32xf32, #tpu.memory_space<hbm>> -> memref<1x26x32xf32, #tpu.memory_space<hbm>>
      %dma_start3A_465 = tpu.memref_squeeze %dma_start3A_464 : memref<1x26x32xf32, #tpu.memory_space<hbm>> -> memref<26x32xf32, #tpu.memory_space<hbm>>
      %dma_start3A_466 = arith.constant 0 : i32
      %dma_start3A_467 = arith.constant 0 : i32
      %dma_start3A_468 = tpu.memref_slice %arg5[%add3A_456, %dma_start3A_466, %dma_start3A_467] : memref<16384x26x32xf32, #tpu.memory_space<hbm>> -> memref<1x26x32xf32, #tpu.memory_space<hbm>>
      %dma_start3A_469 = tpu.memref_squeeze %dma_start3A_468 : memref<1x26x32xf32, #tpu.memory_space<hbm>> -> memref<26x32xf32, #tpu.memory_space<hbm>>
      %dma_start3A_470 = arith.constant 78 : i32
      %dma_start3A_471 = arith.constant 0 : i32
      %dma_start3A_472 = tpu.memref_slice %arg8[%dma_start3A_457, %dma_start3A_470, %dma_start3A_471] : memref<4x104x32xf32, #tpu.memory_space<vmem>> -> memref<1x26x32xf32, #tpu.memory_space<vmem>>
      %dma_start3A_473 = tpu.memref_squeeze %dma_start3A_472 : memref<1x26x32xf32, #tpu.memory_space<vmem>> -> memref<26x32xf32, #tpu.memory_space<vmem>>
      tpu.enqueue_dma source(%dma_start3A_473 : memref<26x32xf32, #tpu.memory_space<vmem>>) target(%dma_start3A_469 : memref<26x32xf32, #tpu.memory_space<hbm>>) target_semaphore(%arg13 : memref<!tpu.dma_semaphore, #tpu.memory_space<semaphore_mem>>)
      %add3A_474 = arith.constant 2 : i32
      %add3A_475 = arith.addi %add3A_374, %add3A_474 : i32
      %lt3A = arith.constant 128 : i32
      %lt3A_476 = arith.cmpi slt, %add3A_475, %lt3A : i32
      %ge3A = arith.constant 4 : i32
      %ge3A_477 = arith.cmpi sge, %add3A_475, %ge3A : i32
      %and3A = arith.andi %lt3A_476, %ge3A_477 : i1
      %convert_element_type3A = arith.extui %and3A : i1 to i32
      %cond3A = arith.constant 0 : i32
      %cond3A_478 = arith.cmpi ne, %convert_element_type3A, %cond3A : i32
      scf.if %cond3A_478 {
        %sub3A = arith.constant 4 : i32
        %sub3A_832 = arith.subi %add3A_475, %sub3A : i32
        %mul3A_833 = arith.constant 4 : i32
        %mul3A_834 = arith.muli %sub3A_832, %mul3A_833 : i32
        %add3A_835 = arith.addi %mul3A_2, %mul3A_834 : i32
        %add3A_836 = arith.constant 0 : i32
        %add3A_837 = arith.addi %add3A_835, %add3A_836 : i32
        %dma_wait3A_838 = arith.constant 2 : i32
        %dma_wait3A_839 = arith.constant 0 : i32
        %dma_wait3A_840 = arith.constant 0 : i32
        %dma_wait3A_841 = tpu.memref_slice %arg8[%dma_wait3A_838, %dma_wait3A_839, %dma_wait3A_840] : memref<4x104x32xf32, #tpu.memory_space<vmem>> -> memref<1x26x32xf32, #tpu.memory_space<vmem>>
        %dma_wait3A_842 = tpu.memref_squeeze %dma_wait3A_841 : memref<1x26x32xf32, #tpu.memory_space<vmem>> -> memref<26x32xf32, #tpu.memory_space<vmem>>
        %dma_wait3A_843 = arith.constant 0 : i32
        %dma_wait3A_844 = arith.constant 0 : i32
        %dma_wait3A_845 = tpu.memref_slice %arg5[%add3A_837, %dma_wait3A_843, %dma_wait3A_844] : memref<16384x26x32xf32, #tpu.memory_space<hbm>> -> memref<1x26x32xf32, #tpu.memory_space<hbm>>
        %dma_wait3A_846 = tpu.memref_squeeze %dma_wait3A_845 : memref<1x26x32xf32, #tpu.memory_space<hbm>> -> memref<26x32xf32, #tpu.memory_space<hbm>>
        %dma_wait3A_847 = arith.constant 0 : i32
        %dma_wait3A_848 = arith.constant 0 : i32
        %dma_wait3A_849 = tpu.memref_slice %arg5[%add3A_837, %dma_wait3A_847, %dma_wait3A_848] : memref<16384x26x32xf32, #tpu.memory_space<hbm>> -> memref<1x26x32xf32, #tpu.memory_space<hbm>>
        %dma_wait3A_850 = tpu.memref_squeeze %dma_wait3A_849 : memref<1x26x32xf32, #tpu.memory_space<hbm>> -> memref<26x32xf32, #tpu.memory_space<hbm>>
        %dma_wait3A_851 = arith.constant 0 : i32
        %dma_wait3A_852 = arith.constant 0 : i32
        %dma_wait3A_853 = tpu.memref_slice %arg8[%dma_wait3A_838, %dma_wait3A_851, %dma_wait3A_852] : memref<4x104x32xf32, #tpu.memory_space<vmem>> -> memref<1x26x32xf32, #tpu.memory_space<vmem>>
        %dma_wait3A_854 = tpu.memref_squeeze %dma_wait3A_853 : memref<1x26x32xf32, #tpu.memory_space<vmem>> -> memref<26x32xf32, #tpu.memory_space<vmem>>
        tpu.wait_dma2 semaphore(%arg15 : memref<!tpu.dma_semaphore, #tpu.memory_space<semaphore_mem>>) src(%dma_wait3A_854 : memref<26x32xf32, #tpu.memory_space<vmem>>) dst(%dma_wait3A_850 : memref<26x32xf32, #tpu.memory_space<hbm>>)
        %mul3A_855 = arith.constant 4 : i32
        %mul3A_856 = arith.muli %sub3A_832, %mul3A_855 : i32
        %add3A_857 = arith.addi %mul3A_2, %mul3A_856 : i32
        %add3A_858 = arith.constant 1 : i32
        %add3A_859 = arith.addi %add3A_857, %add3A_858 : i32
        %dma_wait3A_860 = arith.constant 2 : i32
        %dma_wait3A_861 = arith.constant 26 : i32
        %dma_wait3A_862 = arith.constant 0 : i32
        %dma_wait3A_863 = tpu.memref_slice %arg8[%dma_wait3A_860, %dma_wait3A_861, %dma_wait3A_862] : memref<4x104x32xf32, #tpu.memory_space<vmem>> -> memref<1x26x32xf32, #tpu.memory_space<vmem>>
        %dma_wait3A_864 = tpu.memref_squeeze %dma_wait3A_863 : memref<1x26x32xf32, #tpu.memory_space<vmem>> -> memref<26x32xf32, #tpu.memory_space<vmem>>
        %dma_wait3A_865 = arith.constant 0 : i32
        %dma_wait3A_866 = arith.constant 0 : i32
        %dma_wait3A_867 = tpu.memref_slice %arg5[%add3A_859, %dma_wait3A_865, %dma_wait3A_866] : memref<16384x26x32xf32, #tpu.memory_space<hbm>> -> memref<1x26x32xf32, #tpu.memory_space<hbm>>
        %dma_wait3A_868 = tpu.memref_squeeze %dma_wait3A_867 : memref<1x26x32xf32, #tpu.memory_space<hbm>> -> memref<26x32xf32, #tpu.memory_space<hbm>>
        %dma_wait3A_869 = arith.constant 0 : i32
        %dma_wait3A_870 = arith.constant 0 : i32
        %dma_wait3A_871 = tpu.memref_slice %arg5[%add3A_859, %dma_wait3A_869, %dma_wait3A_870] : memref<16384x26x32xf32, #tpu.memory_space<hbm>> -> memref<1x26x32xf32, #tpu.memory_space<hbm>>
        %dma_wait3A_872 = tpu.memref_squeeze %dma_wait3A_871 : memref<1x26x32xf32, #tpu.memory_space<hbm>> -> memref<26x32xf32, #tpu.memory_space<hbm>>
        %dma_wait3A_873 = arith.constant 26 : i32
        %dma_wait3A_874 = arith.constant 0 : i32
        %dma_wait3A_875 = tpu.memref_slice %arg8[%dma_wait3A_860, %dma_wait3A_873, %dma_wait3A_874] : memref<4x104x32xf32, #tpu.memory_space<vmem>> -> memref<1x26x32xf32, #tpu.memory_space<vmem>>
        %dma_wait3A_876 = tpu.memref_squeeze %dma_wait3A_875 : memref<1x26x32xf32, #tpu.memory_space<vmem>> -> memref<26x32xf32, #tpu.memory_space<vmem>>
        tpu.wait_dma2 semaphore(%arg15 : memref<!tpu.dma_semaphore, #tpu.memory_space<semaphore_mem>>) src(%dma_wait3A_876 : memref<26x32xf32, #tpu.memory_space<vmem>>) dst(%dma_wait3A_872 : memref<26x32xf32, #tpu.memory_space<hbm>>)
        %mul3A_877 = arith.constant 4 : i32
        %mul3A_878 = arith.muli %sub3A_832, %mul3A_877 : i32
        %add3A_879 = arith.addi %mul3A_2, %mul3A_878 : i32
        %add3A_880 = arith.constant 2 : i32
        %add3A_881 = arith.addi %add3A_879, %add3A_880 : i32
        %dma_wait3A_882 = arith.constant 2 : i32
        %dma_wait3A_883 = arith.constant 52 : i32
        %dma_wait3A_884 = arith.constant 0 : i32
        %dma_wait3A_885 = tpu.memref_slice %arg8[%dma_wait3A_882, %dma_wait3A_883, %dma_wait3A_884] : memref<4x104x32xf32, #tpu.memory_space<vmem>> -> memref<1x26x32xf32, #tpu.memory_space<vmem>>
        %dma_wait3A_886 = tpu.memref_squeeze %dma_wait3A_885 : memref<1x26x32xf32, #tpu.memory_space<vmem>> -> memref<26x32xf32, #tpu.memory_space<vmem>>
        %dma_wait3A_887 = arith.constant 0 : i32
        %dma_wait3A_888 = arith.constant 0 : i32
        %dma_wait3A_889 = tpu.memref_slice %arg5[%add3A_881, %dma_wait3A_887, %dma_wait3A_888] : memref<16384x26x32xf32, #tpu.memory_space<hbm>> -> memref<1x26x32xf32, #tpu.memory_space<hbm>>
        %dma_wait3A_890 = tpu.memref_squeeze %dma_wait3A_889 : memref<1x26x32xf32, #tpu.memory_space<hbm>> -> memref<26x32xf32, #tpu.memory_space<hbm>>
        %dma_wait3A_891 = arith.constant 0 : i32
        %dma_wait3A_892 = arith.constant 0 : i32
        %dma_wait3A_893 = tpu.memref_slice %arg5[%add3A_881, %dma_wait3A_891, %dma_wait3A_892] : memref<16384x26x32xf32, #tpu.memory_space<hbm>> -> memref<1x26x32xf32, #tpu.memory_space<hbm>>
        %dma_wait3A_894 = tpu.memref_squeeze %dma_wait3A_893 : memref<1x26x32xf32, #tpu.memory_space<hbm>> -> memref<26x32xf32, #tpu.memory_space<hbm>>
        %dma_wait3A_895 = arith.constant 52 : i32
        %dma_wait3A_896 = arith.constant 0 : i32
        %dma_wait3A_897 = tpu.memref_slice %arg8[%dma_wait3A_882, %dma_wait3A_895, %dma_wait3A_896] : memref<4x104x32xf32, #tpu.memory_space<vmem>> -> memref<1x26x32xf32, #tpu.memory_space<vmem>>
        %dma_wait3A_898 = tpu.memref_squeeze %dma_wait3A_897 : memref<1x26x32xf32, #tpu.memory_space<vmem>> -> memref<26x32xf32, #tpu.memory_space<vmem>>
        tpu.wait_dma2 semaphore(%arg15 : memref<!tpu.dma_semaphore, #tpu.memory_space<semaphore_mem>>) src(%dma_wait3A_898 : memref<26x32xf32, #tpu.memory_space<vmem>>) dst(%dma_wait3A_894 : memref<26x32xf32, #tpu.memory_space<hbm>>)
        %mul3A_899 = arith.constant 4 : i32
        %mul3A_900 = arith.muli %sub3A_832, %mul3A_899 : i32
        %add3A_901 = arith.addi %mul3A_2, %mul3A_900 : i32
        %add3A_902 = arith.constant 3 : i32
        %add3A_903 = arith.addi %add3A_901, %add3A_902 : i32
        %dma_wait3A_904 = arith.constant 2 : i32
        %dma_wait3A_905 = arith.constant 78 : i32
        %dma_wait3A_906 = arith.constant 0 : i32
        %dma_wait3A_907 = tpu.memref_slice %arg8[%dma_wait3A_904, %dma_wait3A_905, %dma_wait3A_906] : memref<4x104x32xf32, #tpu.memory_space<vmem>> -> memref<1x26x32xf32, #tpu.memory_space<vmem>>
        %dma_wait3A_908 = tpu.memref_squeeze %dma_wait3A_907 : memref<1x26x32xf32, #tpu.memory_space<vmem>> -> memref<26x32xf32, #tpu.memory_space<vmem>>
        %dma_wait3A_909 = arith.constant 0 : i32
        %dma_wait3A_910 = arith.constant 0 : i32
        %dma_wait3A_911 = tpu.memref_slice %arg5[%add3A_903, %dma_wait3A_909, %dma_wait3A_910] : memref<16384x26x32xf32, #tpu.memory_space<hbm>> -> memref<1x26x32xf32, #tpu.memory_space<hbm>>
        %dma_wait3A_912 = tpu.memref_squeeze %dma_wait3A_911 : memref<1x26x32xf32, #tpu.memory_space<hbm>> -> memref<26x32xf32, #tpu.memory_space<hbm>>
        %dma_wait3A_913 = arith.constant 0 : i32
        %dma_wait3A_914 = arith.constant 0 : i32
        %dma_wait3A_915 = tpu.memref_slice %arg5[%add3A_903, %dma_wait3A_913, %dma_wait3A_914] : memref<16384x26x32xf32, #tpu.memory_space<hbm>> -> memref<1x26x32xf32, #tpu.memory_space<hbm>>
        %dma_wait3A_916 = tpu.memref_squeeze %dma_wait3A_915 : memref<1x26x32xf32, #tpu.memory_space<hbm>> -> memref<26x32xf32, #tpu.memory_space<hbm>>
        %dma_wait3A_917 = arith.constant 78 : i32
        %dma_wait3A_918 = arith.constant 0 : i32
        %dma_wait3A_919 = tpu.memref_slice %arg8[%dma_wait3A_904, %dma_wait3A_917, %dma_wait3A_918] : memref<4x104x32xf32, #tpu.memory_space<vmem>> -> memref<1x26x32xf32, #tpu.memory_space<vmem>>
        %dma_wait3A_920 = tpu.memref_squeeze %dma_wait3A_919 : memref<1x26x32xf32, #tpu.memory_space<vmem>> -> memref<26x32xf32, #tpu.memory_space<vmem>>
        tpu.wait_dma2 semaphore(%arg15 : memref<!tpu.dma_semaphore, #tpu.memory_space<semaphore_mem>>) src(%dma_wait3A_920 : memref<26x32xf32, #tpu.memory_space<vmem>>) dst(%dma_wait3A_916 : memref<26x32xf32, #tpu.memory_space<hbm>>)
      } else {
      }
      %lt3A_479 = arith.constant 128 : i32
      %lt3A_480 = arith.cmpi slt, %add3A_475, %lt3A_479 : i32
      %convert_element_type3A_481 = arith.extui %lt3A_480 : i1 to i32
      %cond3A_482 = arith.constant 0 : i32
      %cond3A_483 = arith.cmpi ne, %convert_element_type3A_481, %cond3A_482 : i32
      scf.if %cond3A_483 {
        %mul3A_832 = arith.constant 104 : i32
        %mul3A_833 = arith.muli %add3A_475, %mul3A_832 : i32
        %dma_start3A_834 = arith.constant 2 : i32
        %dma_start3A_835 = arith.constant 0 : i32
        %dma_start3A_836 = arith.constant 0 : i32
        %dma_start3A_837 = tpu.memref_slice %arg8[%dma_start3A_834, %dma_start3A_835, %dma_start3A_836] : memref<4x104x32xf32, #tpu.memory_space<vmem>> -> memref<1x104x32xf32, #tpu.memory_space<vmem>>
        %dma_start3A_838 = tpu.memref_squeeze %dma_start3A_837 : memref<1x104x32xf32, #tpu.memory_space<vmem>> -> memref<104x32xf32, #tpu.memory_space<vmem>>
        %dma_start3A_839 = tpu.memref_slice %arg6[%mul3A_833] : memref<13312xi32, #tpu.memory_space<vmem>> -> memref<104xi32, #tpu.memory_space<vmem>>
        %dma_start3A_840 = arith.constant 0 : i32
        %dma_start3A_841 = arith.constant 0 : i32
        %dma_start3A_842 = tpu.memref_slice %arg2[%dma_start3A_840, %dma_start3A_841] : memref<2600000x32xf32, #tpu.memory_space<hbm>> -> memref<2600000x32xf32, #tpu.memory_space<hbm>>
        tpu.enqueue_indirect_dma source(%dma_start3A_842 : memref<2600000x32xf32, #tpu.memory_space<hbm>>) target(%dma_start3A_838 : memref<104x32xf32, #tpu.memory_space<vmem>>) offsets(%dma_start3A_839 : memref<104xi32, #tpu.memory_space<vmem>>) semaphore(%arg11 : memref<!tpu.dma_semaphore, #tpu.memory_space<semaphore_mem>>)
      } else {
      }
      %add3A_484 = arith.constant 1 : i32
      %add3A_485 = arith.addi %mul3A_372, %add3A_484 : i32
      %mul3A_486 = arith.constant 104 : i32
      %mul3A_487 = arith.muli %add3A_485, %mul3A_486 : i32
      %dma_wait3A_488 = arith.constant 1 : i32
      %dma_wait3A_489 = arith.constant 0 : i32
      %dma_wait3A_490 = arith.constant 0 : i32
      %dma_wait3A_491 = tpu.memref_slice %arg8[%dma_wait3A_488, %dma_wait3A_489, %dma_wait3A_490] : memref<4x104x32xf32, #tpu.memory_space<vmem>> -> memref<1x104x32xf32, #tpu.memory_space<vmem>>
      %dma_wait3A_492 = tpu.memref_squeeze %dma_wait3A_491 : memref<1x104x32xf32, #tpu.memory_space<vmem>> -> memref<104x32xf32, #tpu.memory_space<vmem>>
      %dma_wait3A_493 = tpu.memref_slice %arg6[%mul3A_487] : memref<13312xi32, #tpu.memory_space<vmem>> -> memref<104xi32, #tpu.memory_space<vmem>>
      %dma_wait3A_494 = arith.constant 0 : i32
      %dma_wait3A_495 = arith.constant 0 : i32
      %dma_wait3A_496 = tpu.memref_slice %arg2[%dma_wait3A_494, %dma_wait3A_495] : memref<2600000x32xf32, #tpu.memory_space<hbm>> -> memref<2600000x32xf32, #tpu.memory_space<hbm>>
      tpu.wait_indirect_dma semaphore(%arg10 : memref<!tpu.dma_semaphore, #tpu.memory_space<semaphore_mem>>) src(%dma_wait3A_496 : memref<2600000x32xf32, #tpu.memory_space<hbm>>) dst(%dma_wait3A_492 : memref<104x32xf32, #tpu.memory_space<vmem>>)
      %mul3A_497 = arith.constant 4 : i32
      %mul3A_498 = arith.muli %add3A_485, %mul3A_497 : i32
      %add3A_499 = arith.addi %mul3A_2, %mul3A_498 : i32
      %add3A_500 = arith.constant 0 : i32
      %add3A_501 = arith.addi %add3A_499, %add3A_500 : i32
      %dma_start3A_502 = arith.constant 1 : i32
      %dma_start3A_503 = arith.constant 0 : i32
      %dma_start3A_504 = arith.constant 0 : i32
      %dma_start3A_505 = tpu.memref_slice %arg8[%dma_start3A_502, %dma_start3A_503, %dma_start3A_504] : memref<4x104x32xf32, #tpu.memory_space<vmem>> -> memref<1x26x32xf32, #tpu.memory_space<vmem>>
      %dma_start3A_506 = tpu.memref_squeeze %dma_start3A_505 : memref<1x26x32xf32, #tpu.memory_space<vmem>> -> memref<26x32xf32, #tpu.memory_space<vmem>>
      %dma_start3A_507 = arith.constant 0 : i32
      %dma_start3A_508 = arith.constant 0 : i32
      %dma_start3A_509 = tpu.memref_slice %arg5[%add3A_501, %dma_start3A_507, %dma_start3A_508] : memref<16384x26x32xf32, #tpu.memory_space<hbm>> -> memref<1x26x32xf32, #tpu.memory_space<hbm>>
      %dma_start3A_510 = tpu.memref_squeeze %dma_start3A_509 : memref<1x26x32xf32, #tpu.memory_space<hbm>> -> memref<26x32xf32, #tpu.memory_space<hbm>>
      %dma_start3A_511 = arith.constant 0 : i32
      %dma_start3A_512 = arith.constant 0 : i32
      %dma_start3A_513 = tpu.memref_slice %arg5[%add3A_501, %dma_start3A_511, %dma_start3A_512] : memref<16384x26x32xf32, #tpu.memory_space<hbm>> -> memref<1x26x32xf32, #tpu.memory_space<hbm>>
      %dma_start3A_514 = tpu.memref_squeeze %dma_start3A_513 : memref<1x26x32xf32, #tpu.memory_space<hbm>> -> memref<26x32xf32, #tpu.memory_space<hbm>>
      %dma_start3A_515 = arith.constant 0 : i32
      %dma_start3A_516 = arith.constant 0 : i32
      %dma_start3A_517 = tpu.memref_slice %arg8[%dma_start3A_502, %dma_start3A_515, %dma_start3A_516] : memref<4x104x32xf32, #tpu.memory_space<vmem>> -> memref<1x26x32xf32, #tpu.memory_space<vmem>>
      %dma_start3A_518 = tpu.memref_squeeze %dma_start3A_517 : memref<1x26x32xf32, #tpu.memory_space<vmem>> -> memref<26x32xf32, #tpu.memory_space<vmem>>
      tpu.enqueue_dma source(%dma_start3A_518 : memref<26x32xf32, #tpu.memory_space<vmem>>) target(%dma_start3A_514 : memref<26x32xf32, #tpu.memory_space<hbm>>) target_semaphore(%arg14 : memref<!tpu.dma_semaphore, #tpu.memory_space<semaphore_mem>>)
      %mul3A_519 = arith.constant 4 : i32
      %mul3A_520 = arith.muli %add3A_485, %mul3A_519 : i32
      %add3A_521 = arith.addi %mul3A_2, %mul3A_520 : i32
      %add3A_522 = arith.constant 1 : i32
      %add3A_523 = arith.addi %add3A_521, %add3A_522 : i32
      %dma_start3A_524 = arith.constant 1 : i32
      %dma_start3A_525 = arith.constant 26 : i32
      %dma_start3A_526 = arith.constant 0 : i32
      %dma_start3A_527 = tpu.memref_slice %arg8[%dma_start3A_524, %dma_start3A_525, %dma_start3A_526] : memref<4x104x32xf32, #tpu.memory_space<vmem>> -> memref<1x26x32xf32, #tpu.memory_space<vmem>>
      %dma_start3A_528 = tpu.memref_squeeze %dma_start3A_527 : memref<1x26x32xf32, #tpu.memory_space<vmem>> -> memref<26x32xf32, #tpu.memory_space<vmem>>
      %dma_start3A_529 = arith.constant 0 : i32
      %dma_start3A_530 = arith.constant 0 : i32
      %dma_start3A_531 = tpu.memref_slice %arg5[%add3A_523, %dma_start3A_529, %dma_start3A_530] : memref<16384x26x32xf32, #tpu.memory_space<hbm>> -> memref<1x26x32xf32, #tpu.memory_space<hbm>>
      %dma_start3A_532 = tpu.memref_squeeze %dma_start3A_531 : memref<1x26x32xf32, #tpu.memory_space<hbm>> -> memref<26x32xf32, #tpu.memory_space<hbm>>
      %dma_start3A_533 = arith.constant 0 : i32
      %dma_start3A_534 = arith.constant 0 : i32
      %dma_start3A_535 = tpu.memref_slice %arg5[%add3A_523, %dma_start3A_533, %dma_start3A_534] : memref<16384x26x32xf32, #tpu.memory_space<hbm>> -> memref<1x26x32xf32, #tpu.memory_space<hbm>>
      %dma_start3A_536 = tpu.memref_squeeze %dma_start3A_535 : memref<1x26x32xf32, #tpu.memory_space<hbm>> -> memref<26x32xf32, #tpu.memory_space<hbm>>
      %dma_start3A_537 = arith.constant 26 : i32
      %dma_start3A_538 = arith.constant 0 : i32
      %dma_start3A_539 = tpu.memref_slice %arg8[%dma_start3A_524, %dma_start3A_537, %dma_start3A_538] : memref<4x104x32xf32, #tpu.memory_space<vmem>> -> memref<1x26x32xf32, #tpu.memory_space<vmem>>
      %dma_start3A_540 = tpu.memref_squeeze %dma_start3A_539 : memref<1x26x32xf32, #tpu.memory_space<vmem>> -> memref<26x32xf32, #tpu.memory_space<vmem>>
      tpu.enqueue_dma source(%dma_start3A_540 : memref<26x32xf32, #tpu.memory_space<vmem>>) target(%dma_start3A_536 : memref<26x32xf32, #tpu.memory_space<hbm>>) target_semaphore(%arg14 : memref<!tpu.dma_semaphore, #tpu.memory_space<semaphore_mem>>)
      %mul3A_541 = arith.constant 4 : i32
      %mul3A_542 = arith.muli %add3A_485, %mul3A_541 : i32
      %add3A_543 = arith.addi %mul3A_2, %mul3A_542 : i32
      %add3A_544 = arith.constant 2 : i32
      %add3A_545 = arith.addi %add3A_543, %add3A_544 : i32
      %dma_start3A_546 = arith.constant 1 : i32
      %dma_start3A_547 = arith.constant 52 : i32
      %dma_start3A_548 = arith.constant 0 : i32
      %dma_start3A_549 = tpu.memref_slice %arg8[%dma_start3A_546, %dma_start3A_547, %dma_start3A_548] : memref<4x104x32xf32, #tpu.memory_space<vmem>> -> memref<1x26x32xf32, #tpu.memory_space<vmem>>
      %dma_start3A_550 = tpu.memref_squeeze %dma_start3A_549 : memref<1x26x32xf32, #tpu.memory_space<vmem>> -> memref<26x32xf32, #tpu.memory_space<vmem>>
      %dma_start3A_551 = arith.constant 0 : i32
      %dma_start3A_552 = arith.constant 0 : i32
      %dma_start3A_553 = tpu.memref_slice %arg5[%add3A_545, %dma_start3A_551, %dma_start3A_552] : memref<16384x26x32xf32, #tpu.memory_space<hbm>> -> memref<1x26x32xf32, #tpu.memory_space<hbm>>
      %dma_start3A_554 = tpu.memref_squeeze %dma_start3A_553 : memref<1x26x32xf32, #tpu.memory_space<hbm>> -> memref<26x32xf32, #tpu.memory_space<hbm>>
      %dma_start3A_555 = arith.constant 0 : i32
      %dma_start3A_556 = arith.constant 0 : i32
      %dma_start3A_557 = tpu.memref_slice %arg5[%add3A_545, %dma_start3A_555, %dma_start3A_556] : memref<16384x26x32xf32, #tpu.memory_space<hbm>> -> memref<1x26x32xf32, #tpu.memory_space<hbm>>
      %dma_start3A_558 = tpu.memref_squeeze %dma_start3A_557 : memref<1x26x32xf32, #tpu.memory_space<hbm>> -> memref<26x32xf32, #tpu.memory_space<hbm>>
      %dma_start3A_559 = arith.constant 52 : i32
      %dma_start3A_560 = arith.constant 0 : i32
      %dma_start3A_561 = tpu.memref_slice %arg8[%dma_start3A_546, %dma_start3A_559, %dma_start3A_560] : memref<4x104x32xf32, #tpu.memory_space<vmem>> -> memref<1x26x32xf32, #tpu.memory_space<vmem>>
      %dma_start3A_562 = tpu.memref_squeeze %dma_start3A_561 : memref<1x26x32xf32, #tpu.memory_space<vmem>> -> memref<26x32xf32, #tpu.memory_space<vmem>>
      tpu.enqueue_dma source(%dma_start3A_562 : memref<26x32xf32, #tpu.memory_space<vmem>>) target(%dma_start3A_558 : memref<26x32xf32, #tpu.memory_space<hbm>>) target_semaphore(%arg14 : memref<!tpu.dma_semaphore, #tpu.memory_space<semaphore_mem>>)
      %mul3A_563 = arith.constant 4 : i32
      %mul3A_564 = arith.muli %add3A_485, %mul3A_563 : i32
      %add3A_565 = arith.addi %mul3A_2, %mul3A_564 : i32
      %add3A_566 = arith.constant 3 : i32
      %add3A_567 = arith.addi %add3A_565, %add3A_566 : i32
      %dma_start3A_568 = arith.constant 1 : i32
      %dma_start3A_569 = arith.constant 78 : i32
      %dma_start3A_570 = arith.constant 0 : i32
      %dma_start3A_571 = tpu.memref_slice %arg8[%dma_start3A_568, %dma_start3A_569, %dma_start3A_570] : memref<4x104x32xf32, #tpu.memory_space<vmem>> -> memref<1x26x32xf32, #tpu.memory_space<vmem>>
      %dma_start3A_572 = tpu.memref_squeeze %dma_start3A_571 : memref<1x26x32xf32, #tpu.memory_space<vmem>> -> memref<26x32xf32, #tpu.memory_space<vmem>>
      %dma_start3A_573 = arith.constant 0 : i32
      %dma_start3A_574 = arith.constant 0 : i32
      %dma_start3A_575 = tpu.memref_slice %arg5[%add3A_567, %dma_start3A_573, %dma_start3A_574] : memref<16384x26x32xf32, #tpu.memory_space<hbm>> -> memref<1x26x32xf32, #tpu.memory_space<hbm>>
      %dma_start3A_576 = tpu.memref_squeeze %dma_start3A_575 : memref<1x26x32xf32, #tpu.memory_space<hbm>> -> memref<26x32xf32, #tpu.memory_space<hbm>>
      %dma_start3A_577 = arith.constant 0 : i32
      %dma_start3A_578 = arith.constant 0 : i32
      %dma_start3A_579 = tpu.memref_slice %arg5[%add3A_567, %dma_start3A_577, %dma_start3A_578] : memref<16384x26x32xf32, #tpu.memory_space<hbm>> -> memref<1x26x32xf32, #tpu.memory_space<hbm>>
      %dma_start3A_580 = tpu.memref_squeeze %dma_start3A_579 : memref<1x26x32xf32, #tpu.memory_space<hbm>> -> memref<26x32xf32, #tpu.memory_space<hbm>>
      %dma_start3A_581 = arith.constant 78 : i32
      %dma_start3A_582 = arith.constant 0 : i32
      %dma_start3A_583 = tpu.memref_slice %arg8[%dma_start3A_568, %dma_start3A_581, %dma_start3A_582] : memref<4x104x32xf32, #tpu.memory_space<vmem>> -> memref<1x26x32xf32, #tpu.memory_space<vmem>>
      %dma_start3A_584 = tpu.memref_squeeze %dma_start3A_583 : memref<1x26x32xf32, #tpu.memory_space<vmem>> -> memref<26x32xf32, #tpu.memory_space<vmem>>
      tpu.enqueue_dma source(%dma_start3A_584 : memref<26x32xf32, #tpu.memory_space<vmem>>) target(%dma_start3A_580 : memref<26x32xf32, #tpu.memory_space<hbm>>) target_semaphore(%arg14 : memref<!tpu.dma_semaphore, #tpu.memory_space<semaphore_mem>>)
      %add3A_585 = arith.constant 2 : i32
      %add3A_586 = arith.addi %add3A_485, %add3A_585 : i32
      %lt3A_587 = arith.constant 128 : i32
      %lt3A_588 = arith.cmpi slt, %add3A_586, %lt3A_587 : i32
      %ge3A_589 = arith.constant 4 : i32
      %ge3A_590 = arith.cmpi sge, %add3A_586, %ge3A_589 : i32
      %and3A_591 = arith.andi %lt3A_588, %ge3A_590 : i1
      %convert_element_type3A_592 = arith.extui %and3A_591 : i1 to i32
      %cond3A_593 = arith.constant 0 : i32
      %cond3A_594 = arith.cmpi ne, %convert_element_type3A_592, %cond3A_593 : i32
      scf.if %cond3A_594 {
        %sub3A = arith.constant 4 : i32
        %sub3A_832 = arith.subi %add3A_586, %sub3A : i32
        %mul3A_833 = arith.constant 4 : i32
        %mul3A_834 = arith.muli %sub3A_832, %mul3A_833 : i32
        %add3A_835 = arith.addi %mul3A_2, %mul3A_834 : i32
        %add3A_836 = arith.constant 0 : i32
        %add3A_837 = arith.addi %add3A_835, %add3A_836 : i32
        %dma_wait3A_838 = arith.constant 3 : i32
        %dma_wait3A_839 = arith.constant 0 : i32
        %dma_wait3A_840 = arith.constant 0 : i32
        %dma_wait3A_841 = tpu.memref_slice %arg8[%dma_wait3A_838, %dma_wait3A_839, %dma_wait3A_840] : memref<4x104x32xf32, #tpu.memory_space<vmem>> -> memref<1x26x32xf32, #tpu.memory_space<vmem>>
        %dma_wait3A_842 = tpu.memref_squeeze %dma_wait3A_841 : memref<1x26x32xf32, #tpu.memory_space<vmem>> -> memref<26x32xf32, #tpu.memory_space<vmem>>
        %dma_wait3A_843 = arith.constant 0 : i32
        %dma_wait3A_844 = arith.constant 0 : i32
        %dma_wait3A_845 = tpu.memref_slice %arg5[%add3A_837, %dma_wait3A_843, %dma_wait3A_844] : memref<16384x26x32xf32, #tpu.memory_space<hbm>> -> memref<1x26x32xf32, #tpu.memory_space<hbm>>
        %dma_wait3A_846 = tpu.memref_squeeze %dma_wait3A_845 : memref<1x26x32xf32, #tpu.memory_space<hbm>> -> memref<26x32xf32, #tpu.memory_space<hbm>>
        %dma_wait3A_847 = arith.constant 0 : i32
        %dma_wait3A_848 = arith.constant 0 : i32
        %dma_wait3A_849 = tpu.memref_slice %arg5[%add3A_837, %dma_wait3A_847, %dma_wait3A_848] : memref<16384x26x32xf32, #tpu.memory_space<hbm>> -> memref<1x26x32xf32, #tpu.memory_space<hbm>>
        %dma_wait3A_850 = tpu.memref_squeeze %dma_wait3A_849 : memref<1x26x32xf32, #tpu.memory_space<hbm>> -> memref<26x32xf32, #tpu.memory_space<hbm>>
        %dma_wait3A_851 = arith.constant 0 : i32
        %dma_wait3A_852 = arith.constant 0 : i32
        %dma_wait3A_853 = tpu.memref_slice %arg8[%dma_wait3A_838, %dma_wait3A_851, %dma_wait3A_852] : memref<4x104x32xf32, #tpu.memory_space<vmem>> -> memref<1x26x32xf32, #tpu.memory_space<vmem>>
        %dma_wait3A_854 = tpu.memref_squeeze %dma_wait3A_853 : memref<1x26x32xf32, #tpu.memory_space<vmem>> -> memref<26x32xf32, #tpu.memory_space<vmem>>
        tpu.wait_dma2 semaphore(%arg16 : memref<!tpu.dma_semaphore, #tpu.memory_space<semaphore_mem>>) src(%dma_wait3A_854 : memref<26x32xf32, #tpu.memory_space<vmem>>) dst(%dma_wait3A_850 : memref<26x32xf32, #tpu.memory_space<hbm>>)
        %mul3A_855 = arith.constant 4 : i32
        %mul3A_856 = arith.muli %sub3A_832, %mul3A_855 : i32
        %add3A_857 = arith.addi %mul3A_2, %mul3A_856 : i32
        %add3A_858 = arith.constant 1 : i32
        %add3A_859 = arith.addi %add3A_857, %add3A_858 : i32
        %dma_wait3A_860 = arith.constant 3 : i32
        %dma_wait3A_861 = arith.constant 26 : i32
        %dma_wait3A_862 = arith.constant 0 : i32
        %dma_wait3A_863 = tpu.memref_slice %arg8[%dma_wait3A_860, %dma_wait3A_861, %dma_wait3A_862] : memref<4x104x32xf32, #tpu.memory_space<vmem>> -> memref<1x26x32xf32, #tpu.memory_space<vmem>>
        %dma_wait3A_864 = tpu.memref_squeeze %dma_wait3A_863 : memref<1x26x32xf32, #tpu.memory_space<vmem>> -> memref<26x32xf32, #tpu.memory_space<vmem>>
        %dma_wait3A_865 = arith.constant 0 : i32
        %dma_wait3A_866 = arith.constant 0 : i32
        %dma_wait3A_867 = tpu.memref_slice %arg5[%add3A_859, %dma_wait3A_865, %dma_wait3A_866] : memref<16384x26x32xf32, #tpu.memory_space<hbm>> -> memref<1x26x32xf32, #tpu.memory_space<hbm>>
        %dma_wait3A_868 = tpu.memref_squeeze %dma_wait3A_867 : memref<1x26x32xf32, #tpu.memory_space<hbm>> -> memref<26x32xf32, #tpu.memory_space<hbm>>
        %dma_wait3A_869 = arith.constant 0 : i32
        %dma_wait3A_870 = arith.constant 0 : i32
        %dma_wait3A_871 = tpu.memref_slice %arg5[%add3A_859, %dma_wait3A_869, %dma_wait3A_870] : memref<16384x26x32xf32, #tpu.memory_space<hbm>> -> memref<1x26x32xf32, #tpu.memory_space<hbm>>
        %dma_wait3A_872 = tpu.memref_squeeze %dma_wait3A_871 : memref<1x26x32xf32, #tpu.memory_space<hbm>> -> memref<26x32xf32, #tpu.memory_space<hbm>>
        %dma_wait3A_873 = arith.constant 26 : i32
        %dma_wait3A_874 = arith.constant 0 : i32
        %dma_wait3A_875 = tpu.memref_slice %arg8[%dma_wait3A_860, %dma_wait3A_873, %dma_wait3A_874] : memref<4x104x32xf32, #tpu.memory_space<vmem>> -> memref<1x26x32xf32, #tpu.memory_space<vmem>>
        %dma_wait3A_876 = tpu.memref_squeeze %dma_wait3A_875 : memref<1x26x32xf32, #tpu.memory_space<vmem>> -> memref<26x32xf32, #tpu.memory_space<vmem>>
        tpu.wait_dma2 semaphore(%arg16 : memref<!tpu.dma_semaphore, #tpu.memory_space<semaphore_mem>>) src(%dma_wait3A_876 : memref<26x32xf32, #tpu.memory_space<vmem>>) dst(%dma_wait3A_872 : memref<26x32xf32, #tpu.memory_space<hbm>>)
        %mul3A_877 = arith.constant 4 : i32
        %mul3A_878 = arith.muli %sub3A_832, %mul3A_877 : i32
        %add3A_879 = arith.addi %mul3A_2, %mul3A_878 : i32
        %add3A_880 = arith.constant 2 : i32
        %add3A_881 = arith.addi %add3A_879, %add3A_880 : i32
        %dma_wait3A_882 = arith.constant 3 : i32
        %dma_wait3A_883 = arith.constant 52 : i32
        %dma_wait3A_884 = arith.constant 0 : i32
        %dma_wait3A_885 = tpu.memref_slice %arg8[%dma_wait3A_882, %dma_wait3A_883, %dma_wait3A_884] : memref<4x104x32xf32, #tpu.memory_space<vmem>> -> memref<1x26x32xf32, #tpu.memory_space<vmem>>
        %dma_wait3A_886 = tpu.memref_squeeze %dma_wait3A_885 : memref<1x26x32xf32, #tpu.memory_space<vmem>> -> memref<26x32xf32, #tpu.memory_space<vmem>>
        %dma_wait3A_887 = arith.constant 0 : i32
        %dma_wait3A_888 = arith.constant 0 : i32
        %dma_wait3A_889 = tpu.memref_slice %arg5[%add3A_881, %dma_wait3A_887, %dma_wait3A_888] : memref<16384x26x32xf32, #tpu.memory_space<hbm>> -> memref<1x26x32xf32, #tpu.memory_space<hbm>>
        %dma_wait3A_890 = tpu.memref_squeeze %dma_wait3A_889 : memref<1x26x32xf32, #tpu.memory_space<hbm>> -> memref<26x32xf32, #tpu.memory_space<hbm>>
        %dma_wait3A_891 = arith.constant 0 : i32
        %dma_wait3A_892 = arith.constant 0 : i32
        %dma_wait3A_893 = tpu.memref_slice %arg5[%add3A_881, %dma_wait3A_891, %dma_wait3A_892] : memref<16384x26x32xf32, #tpu.memory_space<hbm>> -> memref<1x26x32xf32, #tpu.memory_space<hbm>>
        %dma_wait3A_894 = tpu.memref_squeeze %dma_wait3A_893 : memref<1x26x32xf32, #tpu.memory_space<hbm>> -> memref<26x32xf32, #tpu.memory_space<hbm>>
        %dma_wait3A_895 = arith.constant 52 : i32
        %dma_wait3A_896 = arith.constant 0 : i32
        %dma_wait3A_897 = tpu.memref_slice %arg8[%dma_wait3A_882, %dma_wait3A_895, %dma_wait3A_896] : memref<4x104x32xf32, #tpu.memory_space<vmem>> -> memref<1x26x32xf32, #tpu.memory_space<vmem>>
        %dma_wait3A_898 = tpu.memref_squeeze %dma_wait3A_897 : memref<1x26x32xf32, #tpu.memory_space<vmem>> -> memref<26x32xf32, #tpu.memory_space<vmem>>
        tpu.wait_dma2 semaphore(%arg16 : memref<!tpu.dma_semaphore, #tpu.memory_space<semaphore_mem>>) src(%dma_wait3A_898 : memref<26x32xf32, #tpu.memory_space<vmem>>) dst(%dma_wait3A_894 : memref<26x32xf32, #tpu.memory_space<hbm>>)
        %mul3A_899 = arith.constant 4 : i32
        %mul3A_900 = arith.muli %sub3A_832, %mul3A_899 : i32
        %add3A_901 = arith.addi %mul3A_2, %mul3A_900 : i32
        %add3A_902 = arith.constant 3 : i32
        %add3A_903 = arith.addi %add3A_901, %add3A_902 : i32
        %dma_wait3A_904 = arith.constant 3 : i32
        %dma_wait3A_905 = arith.constant 78 : i32
        %dma_wait3A_906 = arith.constant 0 : i32
        %dma_wait3A_907 = tpu.memref_slice %arg8[%dma_wait3A_904, %dma_wait3A_905, %dma_wait3A_906] : memref<4x104x32xf32, #tpu.memory_space<vmem>> -> memref<1x26x32xf32, #tpu.memory_space<vmem>>
        %dma_wait3A_908 = tpu.memref_squeeze %dma_wait3A_907 : memref<1x26x32xf32, #tpu.memory_space<vmem>> -> memref<26x32xf32, #tpu.memory_space<vmem>>
        %dma_wait3A_909 = arith.constant 0 : i32
        %dma_wait3A_910 = arith.constant 0 : i32
        %dma_wait3A_911 = tpu.memref_slice %arg5[%add3A_903, %dma_wait3A_909, %dma_wait3A_910] : memref<16384x26x32xf32, #tpu.memory_space<hbm>> -> memref<1x26x32xf32, #tpu.memory_space<hbm>>
        %dma_wait3A_912 = tpu.memref_squeeze %dma_wait3A_911 : memref<1x26x32xf32, #tpu.memory_space<hbm>> -> memref<26x32xf32, #tpu.memory_space<hbm>>
        %dma_wait3A_913 = arith.constant 0 : i32
        %dma_wait3A_914 = arith.constant 0 : i32
        %dma_wait3A_915 = tpu.memref_slice %arg5[%add3A_903, %dma_wait3A_913, %dma_wait3A_914] : memref<16384x26x32xf32, #tpu.memory_space<hbm>> -> memref<1x26x32xf32, #tpu.memory_space<hbm>>
        %dma_wait3A_916 = tpu.memref_squeeze %dma_wait3A_915 : memref<1x26x32xf32, #tpu.memory_space<hbm>> -> memref<26x32xf32, #tpu.memory_space<hbm>>
        %dma_wait3A_917 = arith.constant 78 : i32
        %dma_wait3A_918 = arith.constant 0 : i32
        %dma_wait3A_919 = tpu.memref_slice %arg8[%dma_wait3A_904, %dma_wait3A_917, %dma_wait3A_918] : memref<4x104x32xf32, #tpu.memory_space<vmem>> -> memref<1x26x32xf32, #tpu.memory_space<vmem>>
        %dma_wait3A_920 = tpu.memref_squeeze %dma_wait3A_919 : memref<1x26x32xf32, #tpu.memory_space<vmem>> -> memref<26x32xf32, #tpu.memory_space<vmem>>
        tpu.wait_dma2 semaphore(%arg16 : memref<!tpu.dma_semaphore, #tpu.memory_space<semaphore_mem>>) src(%dma_wait3A_920 : memref<26x32xf32, #tpu.memory_space<vmem>>) dst(%dma_wait3A_916 : memref<26x32xf32, #tpu.memory_space<hbm>>)
      } else {
      }
      %lt3A_595 = arith.constant 128 : i32
      %lt3A_596 = arith.cmpi slt, %add3A_586, %lt3A_595 : i32
      %convert_element_type3A_597 = arith.extui %lt3A_596 : i1 to i32
      %cond3A_598 = arith.constant 0 : i32
      %cond3A_599 = arith.cmpi ne, %convert_element_type3A_597, %cond3A_598 : i32
      scf.if %cond3A_599 {
        %mul3A_832 = arith.constant 104 : i32
        %mul3A_833 = arith.muli %add3A_586, %mul3A_832 : i32
        %dma_start3A_834 = arith.constant 3 : i32
        %dma_start3A_835 = arith.constant 0 : i32
        %dma_start3A_836 = arith.constant 0 : i32
        %dma_start3A_837 = tpu.memref_slice %arg8[%dma_start3A_834, %dma_start3A_835, %dma_start3A_836] : memref<4x104x32xf32, #tpu.memory_space<vmem>> -> memref<1x104x32xf32, #tpu.memory_space<vmem>>
        %dma_start3A_838 = tpu.memref_squeeze %dma_start3A_837 : memref<1x104x32xf32, #tpu.memory_space<vmem>> -> memref<104x32xf32, #tpu.memory_space<vmem>>
        %dma_start3A_839 = tpu.memref_slice %arg6[%mul3A_833] : memref<13312xi32, #tpu.memory_space<vmem>> -> memref<104xi32, #tpu.memory_space<vmem>>
        %dma_start3A_840 = arith.constant 0 : i32
        %dma_start3A_841 = arith.constant 0 : i32
        %dma_start3A_842 = tpu.memref_slice %arg2[%dma_start3A_840, %dma_start3A_841] : memref<2600000x32xf32, #tpu.memory_space<hbm>> -> memref<2600000x32xf32, #tpu.memory_space<hbm>>
        tpu.enqueue_indirect_dma source(%dma_start3A_842 : memref<2600000x32xf32, #tpu.memory_space<hbm>>) target(%dma_start3A_838 : memref<104x32xf32, #tpu.memory_space<vmem>>) offsets(%dma_start3A_839 : memref<104xi32, #tpu.memory_space<vmem>>) semaphore(%arg12 : memref<!tpu.dma_semaphore, #tpu.memory_space<semaphore_mem>>)
      } else {
      }
      %add3A_600 = arith.constant 2 : i32
      %add3A_601 = arith.addi %mul3A_372, %add3A_600 : i32
      %mul3A_602 = arith.constant 104 : i32
      %mul3A_603 = arith.muli %add3A_601, %mul3A_602 : i32
      %dma_wait3A_604 = arith.constant 2 : i32
      %dma_wait3A_605 = arith.constant 0 : i32
      %dma_wait3A_606 = arith.constant 0 : i32
      %dma_wait3A_607 = tpu.memref_slice %arg8[%dma_wait3A_604, %dma_wait3A_605, %dma_wait3A_606] : memref<4x104x32xf32, #tpu.memory_space<vmem>> -> memref<1x104x32xf32, #tpu.memory_space<vmem>>
      %dma_wait3A_608 = tpu.memref_squeeze %dma_wait3A_607 : memref<1x104x32xf32, #tpu.memory_space<vmem>> -> memref<104x32xf32, #tpu.memory_space<vmem>>
      %dma_wait3A_609 = tpu.memref_slice %arg6[%mul3A_603] : memref<13312xi32, #tpu.memory_space<vmem>> -> memref<104xi32, #tpu.memory_space<vmem>>
      %dma_wait3A_610 = arith.constant 0 : i32
      %dma_wait3A_611 = arith.constant 0 : i32
      %dma_wait3A_612 = tpu.memref_slice %arg2[%dma_wait3A_610, %dma_wait3A_611] : memref<2600000x32xf32, #tpu.memory_space<hbm>> -> memref<2600000x32xf32, #tpu.memory_space<hbm>>
      tpu.wait_indirect_dma semaphore(%arg11 : memref<!tpu.dma_semaphore, #tpu.memory_space<semaphore_mem>>) src(%dma_wait3A_612 : memref<2600000x32xf32, #tpu.memory_space<hbm>>) dst(%dma_wait3A_608 : memref<104x32xf32, #tpu.memory_space<vmem>>)
      %mul3A_613 = arith.constant 4 : i32
      %mul3A_614 = arith.muli %add3A_601, %mul3A_613 : i32
      %add3A_615 = arith.addi %mul3A_2, %mul3A_614 : i32
      %add3A_616 = arith.constant 0 : i32
      %add3A_617 = arith.addi %add3A_615, %add3A_616 : i32
      %dma_start3A_618 = arith.constant 2 : i32
      %dma_start3A_619 = arith.constant 0 : i32
      %dma_start3A_620 = arith.constant 0 : i32
      %dma_start3A_621 = tpu.memref_slice %arg8[%dma_start3A_618, %dma_start3A_619, %dma_start3A_620] : memref<4x104x32xf32, #tpu.memory_space<vmem>> -> memref<1x26x32xf32, #tpu.memory_space<vmem>>
      %dma_start3A_622 = tpu.memref_squeeze %dma_start3A_621 : memref<1x26x32xf32, #tpu.memory_space<vmem>> -> memref<26x32xf32, #tpu.memory_space<vmem>>
      %dma_start3A_623 = arith.constant 0 : i32
      %dma_start3A_624 = arith.constant 0 : i32
      %dma_start3A_625 = tpu.memref_slice %arg5[%add3A_617, %dma_start3A_623, %dma_start3A_624] : memref<16384x26x32xf32, #tpu.memory_space<hbm>> -> memref<1x26x32xf32, #tpu.memory_space<hbm>>
      %dma_start3A_626 = tpu.memref_squeeze %dma_start3A_625 : memref<1x26x32xf32, #tpu.memory_space<hbm>> -> memref<26x32xf32, #tpu.memory_space<hbm>>
      %dma_start3A_627 = arith.constant 0 : i32
      %dma_start3A_628 = arith.constant 0 : i32
      %dma_start3A_629 = tpu.memref_slice %arg5[%add3A_617, %dma_start3A_627, %dma_start3A_628] : memref<16384x26x32xf32, #tpu.memory_space<hbm>> -> memref<1x26x32xf32, #tpu.memory_space<hbm>>
      %dma_start3A_630 = tpu.memref_squeeze %dma_start3A_629 : memref<1x26x32xf32, #tpu.memory_space<hbm>> -> memref<26x32xf32, #tpu.memory_space<hbm>>
      %dma_start3A_631 = arith.constant 0 : i32
      %dma_start3A_632 = arith.constant 0 : i32
      %dma_start3A_633 = tpu.memref_slice %arg8[%dma_start3A_618, %dma_start3A_631, %dma_start3A_632] : memref<4x104x32xf32, #tpu.memory_space<vmem>> -> memref<1x26x32xf32, #tpu.memory_space<vmem>>
      %dma_start3A_634 = tpu.memref_squeeze %dma_start3A_633 : memref<1x26x32xf32, #tpu.memory_space<vmem>> -> memref<26x32xf32, #tpu.memory_space<vmem>>
      tpu.enqueue_dma source(%dma_start3A_634 : memref<26x32xf32, #tpu.memory_space<vmem>>) target(%dma_start3A_630 : memref<26x32xf32, #tpu.memory_space<hbm>>) target_semaphore(%arg15 : memref<!tpu.dma_semaphore, #tpu.memory_space<semaphore_mem>>)
      %mul3A_635 = arith.constant 4 : i32
      %mul3A_636 = arith.muli %add3A_601, %mul3A_635 : i32
      %add3A_637 = arith.addi %mul3A_2, %mul3A_636 : i32
      %add3A_638 = arith.constant 1 : i32
      %add3A_639 = arith.addi %add3A_637, %add3A_638 : i32
      %dma_start3A_640 = arith.constant 2 : i32
      %dma_start3A_641 = arith.constant 26 : i32
      %dma_start3A_642 = arith.constant 0 : i32
      %dma_start3A_643 = tpu.memref_slice %arg8[%dma_start3A_640, %dma_start3A_641, %dma_start3A_642] : memref<4x104x32xf32, #tpu.memory_space<vmem>> -> memref<1x26x32xf32, #tpu.memory_space<vmem>>
      %dma_start3A_644 = tpu.memref_squeeze %dma_start3A_643 : memref<1x26x32xf32, #tpu.memory_space<vmem>> -> memref<26x32xf32, #tpu.memory_space<vmem>>
      %dma_start3A_645 = arith.constant 0 : i32
      %dma_start3A_646 = arith.constant 0 : i32
      %dma_start3A_647 = tpu.memref_slice %arg5[%add3A_639, %dma_start3A_645, %dma_start3A_646] : memref<16384x26x32xf32, #tpu.memory_space<hbm>> -> memref<1x26x32xf32, #tpu.memory_space<hbm>>
      %dma_start3A_648 = tpu.memref_squeeze %dma_start3A_647 : memref<1x26x32xf32, #tpu.memory_space<hbm>> -> memref<26x32xf32, #tpu.memory_space<hbm>>
      %dma_start3A_649 = arith.constant 0 : i32
      %dma_start3A_650 = arith.constant 0 : i32
      %dma_start3A_651 = tpu.memref_slice %arg5[%add3A_639, %dma_start3A_649, %dma_start3A_650] : memref<16384x26x32xf32, #tpu.memory_space<hbm>> -> memref<1x26x32xf32, #tpu.memory_space<hbm>>
      %dma_start3A_652 = tpu.memref_squeeze %dma_start3A_651 : memref<1x26x32xf32, #tpu.memory_space<hbm>> -> memref<26x32xf32, #tpu.memory_space<hbm>>
      %dma_start3A_653 = arith.constant 26 : i32
      %dma_start3A_654 = arith.constant 0 : i32
      %dma_start3A_655 = tpu.memref_slice %arg8[%dma_start3A_640, %dma_start3A_653, %dma_start3A_654] : memref<4x104x32xf32, #tpu.memory_space<vmem>> -> memref<1x26x32xf32, #tpu.memory_space<vmem>>
      %dma_start3A_656 = tpu.memref_squeeze %dma_start3A_655 : memref<1x26x32xf32, #tpu.memory_space<vmem>> -> memref<26x32xf32, #tpu.memory_space<vmem>>
      tpu.enqueue_dma source(%dma_start3A_656 : memref<26x32xf32, #tpu.memory_space<vmem>>) target(%dma_start3A_652 : memref<26x32xf32, #tpu.memory_space<hbm>>) target_semaphore(%arg15 : memref<!tpu.dma_semaphore, #tpu.memory_space<semaphore_mem>>)
      %mul3A_657 = arith.constant 4 : i32
      %mul3A_658 = arith.muli %add3A_601, %mul3A_657 : i32
      %add3A_659 = arith.addi %mul3A_2, %mul3A_658 : i32
      %add3A_660 = arith.constant 2 : i32
      %add3A_661 = arith.addi %add3A_659, %add3A_660 : i32
      %dma_start3A_662 = arith.constant 2 : i32
      %dma_start3A_663 = arith.constant 52 : i32
      %dma_start3A_664 = arith.constant 0 : i32
      %dma_start3A_665 = tpu.memref_slice %arg8[%dma_start3A_662, %dma_start3A_663, %dma_start3A_664] : memref<4x104x32xf32, #tpu.memory_space<vmem>> -> memref<1x26x32xf32, #tpu.memory_space<vmem>>
      %dma_start3A_666 = tpu.memref_squeeze %dma_start3A_665 : memref<1x26x32xf32, #tpu.memory_space<vmem>> -> memref<26x32xf32, #tpu.memory_space<vmem>>
      %dma_start3A_667 = arith.constant 0 : i32
      %dma_start3A_668 = arith.constant 0 : i32
      %dma_start3A_669 = tpu.memref_slice %arg5[%add3A_661, %dma_start3A_667, %dma_start3A_668] : memref<16384x26x32xf32, #tpu.memory_space<hbm>> -> memref<1x26x32xf32, #tpu.memory_space<hbm>>
      %dma_start3A_670 = tpu.memref_squeeze %dma_start3A_669 : memref<1x26x32xf32, #tpu.memory_space<hbm>> -> memref<26x32xf32, #tpu.memory_space<hbm>>
      %dma_start3A_671 = arith.constant 0 : i32
      %dma_start3A_672 = arith.constant 0 : i32
      %dma_start3A_673 = tpu.memref_slice %arg5[%add3A_661, %dma_start3A_671, %dma_start3A_672] : memref<16384x26x32xf32, #tpu.memory_space<hbm>> -> memref<1x26x32xf32, #tpu.memory_space<hbm>>
      %dma_start3A_674 = tpu.memref_squeeze %dma_start3A_673 : memref<1x26x32xf32, #tpu.memory_space<hbm>> -> memref<26x32xf32, #tpu.memory_space<hbm>>
      %dma_start3A_675 = arith.constant 52 : i32
      %dma_start3A_676 = arith.constant 0 : i32
      %dma_start3A_677 = tpu.memref_slice %arg8[%dma_start3A_662, %dma_start3A_675, %dma_start3A_676] : memref<4x104x32xf32, #tpu.memory_space<vmem>> -> memref<1x26x32xf32, #tpu.memory_space<vmem>>
      %dma_start3A_678 = tpu.memref_squeeze %dma_start3A_677 : memref<1x26x32xf32, #tpu.memory_space<vmem>> -> memref<26x32xf32, #tpu.memory_space<vmem>>
      tpu.enqueue_dma source(%dma_start3A_678 : memref<26x32xf32, #tpu.memory_space<vmem>>) target(%dma_start3A_674 : memref<26x32xf32, #tpu.memory_space<hbm>>) target_semaphore(%arg15 : memref<!tpu.dma_semaphore, #tpu.memory_space<semaphore_mem>>)
      %mul3A_679 = arith.constant 4 : i32
      %mul3A_680 = arith.muli %add3A_601, %mul3A_679 : i32
      %add3A_681 = arith.addi %mul3A_2, %mul3A_680 : i32
      %add3A_682 = arith.constant 3 : i32
      %add3A_683 = arith.addi %add3A_681, %add3A_682 : i32
      %dma_start3A_684 = arith.constant 2 : i32
      %dma_start3A_685 = arith.constant 78 : i32
      %dma_start3A_686 = arith.constant 0 : i32
      %dma_start3A_687 = tpu.memref_slice %arg8[%dma_start3A_684, %dma_start3A_685, %dma_start3A_686] : memref<4x104x32xf32, #tpu.memory_space<vmem>> -> memref<1x26x32xf32, #tpu.memory_space<vmem>>
      %dma_start3A_688 = tpu.memref_squeeze %dma_start3A_687 : memref<1x26x32xf32, #tpu.memory_space<vmem>> -> memref<26x32xf32, #tpu.memory_space<vmem>>
      %dma_start3A_689 = arith.constant 0 : i32
      %dma_start3A_690 = arith.constant 0 : i32
      %dma_start3A_691 = tpu.memref_slice %arg5[%add3A_683, %dma_start3A_689, %dma_start3A_690] : memref<16384x26x32xf32, #tpu.memory_space<hbm>> -> memref<1x26x32xf32, #tpu.memory_space<hbm>>
      %dma_start3A_692 = tpu.memref_squeeze %dma_start3A_691 : memref<1x26x32xf32, #tpu.memory_space<hbm>> -> memref<26x32xf32, #tpu.memory_space<hbm>>
      %dma_start3A_693 = arith.constant 0 : i32
      %dma_start3A_694 = arith.constant 0 : i32
      %dma_start3A_695 = tpu.memref_slice %arg5[%add3A_683, %dma_start3A_693, %dma_start3A_694] : memref<16384x26x32xf32, #tpu.memory_space<hbm>> -> memref<1x26x32xf32, #tpu.memory_space<hbm>>
      %dma_start3A_696 = tpu.memref_squeeze %dma_start3A_695 : memref<1x26x32xf32, #tpu.memory_space<hbm>> -> memref<26x32xf32, #tpu.memory_space<hbm>>
      %dma_start3A_697 = arith.constant 78 : i32
      %dma_start3A_698 = arith.constant 0 : i32
      %dma_start3A_699 = tpu.memref_slice %arg8[%dma_start3A_684, %dma_start3A_697, %dma_start3A_698] : memref<4x104x32xf32, #tpu.memory_space<vmem>> -> memref<1x26x32xf32, #tpu.memory_space<vmem>>
      %dma_start3A_700 = tpu.memref_squeeze %dma_start3A_699 : memref<1x26x32xf32, #tpu.memory_space<vmem>> -> memref<26x32xf32, #tpu.memory_space<vmem>>
      tpu.enqueue_dma source(%dma_start3A_700 : memref<26x32xf32, #tpu.memory_space<vmem>>) target(%dma_start3A_696 : memref<26x32xf32, #tpu.memory_space<hbm>>) target_semaphore(%arg15 : memref<!tpu.dma_semaphore, #tpu.memory_space<semaphore_mem>>)
      %add3A_701 = arith.constant 2 : i32
      %add3A_702 = arith.addi %add3A_601, %add3A_701 : i32
      %lt3A_703 = arith.constant 128 : i32
      %lt3A_704 = arith.cmpi slt, %add3A_702, %lt3A_703 : i32
      %ge3A_705 = arith.constant 4 : i32
      %ge3A_706 = arith.cmpi sge, %add3A_702, %ge3A_705 : i32
      %and3A_707 = arith.andi %lt3A_704, %ge3A_706 : i1
      %convert_element_type3A_708 = arith.extui %and3A_707 : i1 to i32
      %cond3A_709 = arith.constant 0 : i32
      %cond3A_710 = arith.cmpi ne, %convert_element_type3A_708, %cond3A_709 : i32
      scf.if %cond3A_710 {
        %sub3A = arith.constant 4 : i32
        %sub3A_832 = arith.subi %add3A_702, %sub3A : i32
        %mul3A_833 = arith.constant 4 : i32
        %mul3A_834 = arith.muli %sub3A_832, %mul3A_833 : i32
        %add3A_835 = arith.addi %mul3A_2, %mul3A_834 : i32
        %add3A_836 = arith.constant 0 : i32
        %add3A_837 = arith.addi %add3A_835, %add3A_836 : i32
        %dma_wait3A_838 = arith.constant 0 : i32
        %dma_wait3A_839 = arith.constant 0 : i32
        %dma_wait3A_840 = arith.constant 0 : i32
        %dma_wait3A_841 = tpu.memref_slice %arg8[%dma_wait3A_838, %dma_wait3A_839, %dma_wait3A_840] : memref<4x104x32xf32, #tpu.memory_space<vmem>> -> memref<1x26x32xf32, #tpu.memory_space<vmem>>
        %dma_wait3A_842 = tpu.memref_squeeze %dma_wait3A_841 : memref<1x26x32xf32, #tpu.memory_space<vmem>> -> memref<26x32xf32, #tpu.memory_space<vmem>>
        %dma_wait3A_843 = arith.constant 0 : i32
        %dma_wait3A_844 = arith.constant 0 : i32
        %dma_wait3A_845 = tpu.memref_slice %arg5[%add3A_837, %dma_wait3A_843, %dma_wait3A_844] : memref<16384x26x32xf32, #tpu.memory_space<hbm>> -> memref<1x26x32xf32, #tpu.memory_space<hbm>>
        %dma_wait3A_846 = tpu.memref_squeeze %dma_wait3A_845 : memref<1x26x32xf32, #tpu.memory_space<hbm>> -> memref<26x32xf32, #tpu.memory_space<hbm>>
        %dma_wait3A_847 = arith.constant 0 : i32
        %dma_wait3A_848 = arith.constant 0 : i32
        %dma_wait3A_849 = tpu.memref_slice %arg5[%add3A_837, %dma_wait3A_847, %dma_wait3A_848] : memref<16384x26x32xf32, #tpu.memory_space<hbm>> -> memref<1x26x32xf32, #tpu.memory_space<hbm>>
        %dma_wait3A_850 = tpu.memref_squeeze %dma_wait3A_849 : memref<1x26x32xf32, #tpu.memory_space<hbm>> -> memref<26x32xf32, #tpu.memory_space<hbm>>
        %dma_wait3A_851 = arith.constant 0 : i32
        %dma_wait3A_852 = arith.constant 0 : i32
        %dma_wait3A_853 = tpu.memref_slice %arg8[%dma_wait3A_838, %dma_wait3A_851, %dma_wait3A_852] : memref<4x104x32xf32, #tpu.memory_space<vmem>> -> memref<1x26x32xf32, #tpu.memory_space<vmem>>
        %dma_wait3A_854 = tpu.memref_squeeze %dma_wait3A_853 : memref<1x26x32xf32, #tpu.memory_space<vmem>> -> memref<26x32xf32, #tpu.memory_space<vmem>>
        tpu.wait_dma2 semaphore(%arg13 : memref<!tpu.dma_semaphore, #tpu.memory_space<semaphore_mem>>) src(%dma_wait3A_854 : memref<26x32xf32, #tpu.memory_space<vmem>>) dst(%dma_wait3A_850 : memref<26x32xf32, #tpu.memory_space<hbm>>)
        %mul3A_855 = arith.constant 4 : i32
        %mul3A_856 = arith.muli %sub3A_832, %mul3A_855 : i32
        %add3A_857 = arith.addi %mul3A_2, %mul3A_856 : i32
        %add3A_858 = arith.constant 1 : i32
        %add3A_859 = arith.addi %add3A_857, %add3A_858 : i32
        %dma_wait3A_860 = arith.constant 0 : i32
        %dma_wait3A_861 = arith.constant 26 : i32
        %dma_wait3A_862 = arith.constant 0 : i32
        %dma_wait3A_863 = tpu.memref_slice %arg8[%dma_wait3A_860, %dma_wait3A_861, %dma_wait3A_862] : memref<4x104x32xf32, #tpu.memory_space<vmem>> -> memref<1x26x32xf32, #tpu.memory_space<vmem>>
        %dma_wait3A_864 = tpu.memref_squeeze %dma_wait3A_863 : memref<1x26x32xf32, #tpu.memory_space<vmem>> -> memref<26x32xf32, #tpu.memory_space<vmem>>
        %dma_wait3A_865 = arith.constant 0 : i32
        %dma_wait3A_866 = arith.constant 0 : i32
        %dma_wait3A_867 = tpu.memref_slice %arg5[%add3A_859, %dma_wait3A_865, %dma_wait3A_866] : memref<16384x26x32xf32, #tpu.memory_space<hbm>> -> memref<1x26x32xf32, #tpu.memory_space<hbm>>
        %dma_wait3A_868 = tpu.memref_squeeze %dma_wait3A_867 : memref<1x26x32xf32, #tpu.memory_space<hbm>> -> memref<26x32xf32, #tpu.memory_space<hbm>>
        %dma_wait3A_869 = arith.constant 0 : i32
        %dma_wait3A_870 = arith.constant 0 : i32
        %dma_wait3A_871 = tpu.memref_slice %arg5[%add3A_859, %dma_wait3A_869, %dma_wait3A_870] : memref<16384x26x32xf32, #tpu.memory_space<hbm>> -> memref<1x26x32xf32, #tpu.memory_space<hbm>>
        %dma_wait3A_872 = tpu.memref_squeeze %dma_wait3A_871 : memref<1x26x32xf32, #tpu.memory_space<hbm>> -> memref<26x32xf32, #tpu.memory_space<hbm>>
        %dma_wait3A_873 = arith.constant 26 : i32
        %dma_wait3A_874 = arith.constant 0 : i32
        %dma_wait3A_875 = tpu.memref_slice %arg8[%dma_wait3A_860, %dma_wait3A_873, %dma_wait3A_874] : memref<4x104x32xf32, #tpu.memory_space<vmem>> -> memref<1x26x32xf32, #tpu.memory_space<vmem>>
        %dma_wait3A_876 = tpu.memref_squeeze %dma_wait3A_875 : memref<1x26x32xf32, #tpu.memory_space<vmem>> -> memref<26x32xf32, #tpu.memory_space<vmem>>
        tpu.wait_dma2 semaphore(%arg13 : memref<!tpu.dma_semaphore, #tpu.memory_space<semaphore_mem>>) src(%dma_wait3A_876 : memref<26x32xf32, #tpu.memory_space<vmem>>) dst(%dma_wait3A_872 : memref<26x32xf32, #tpu.memory_space<hbm>>)
        %mul3A_877 = arith.constant 4 : i32
        %mul3A_878 = arith.muli %sub3A_832, %mul3A_877 : i32
        %add3A_879 = arith.addi %mul3A_2, %mul3A_878 : i32
        %add3A_880 = arith.constant 2 : i32
        %add3A_881 = arith.addi %add3A_879, %add3A_880 : i32
        %dma_wait3A_882 = arith.constant 0 : i32
        %dma_wait3A_883 = arith.constant 52 : i32
        %dma_wait3A_884 = arith.constant 0 : i32
        %dma_wait3A_885 = tpu.memref_slice %arg8[%dma_wait3A_882, %dma_wait3A_883, %dma_wait3A_884] : memref<4x104x32xf32, #tpu.memory_space<vmem>> -> memref<1x26x32xf32, #tpu.memory_space<vmem>>
        %dma_wait3A_886 = tpu.memref_squeeze %dma_wait3A_885 : memref<1x26x32xf32, #tpu.memory_space<vmem>> -> memref<26x32xf32, #tpu.memory_space<vmem>>
        %dma_wait3A_887 = arith.constant 0 : i32
        %dma_wait3A_888 = arith.constant 0 : i32
        %dma_wait3A_889 = tpu.memref_slice %arg5[%add3A_881, %dma_wait3A_887, %dma_wait3A_888] : memref<16384x26x32xf32, #tpu.memory_space<hbm>> -> memref<1x26x32xf32, #tpu.memory_space<hbm>>
        %dma_wait3A_890 = tpu.memref_squeeze %dma_wait3A_889 : memref<1x26x32xf32, #tpu.memory_space<hbm>> -> memref<26x32xf32, #tpu.memory_space<hbm>>
        %dma_wait3A_891 = arith.constant 0 : i32
        %dma_wait3A_892 = arith.constant 0 : i32
        %dma_wait3A_893 = tpu.memref_slice %arg5[%add3A_881, %dma_wait3A_891, %dma_wait3A_892] : memref<16384x26x32xf32, #tpu.memory_space<hbm>> -> memref<1x26x32xf32, #tpu.memory_space<hbm>>
        %dma_wait3A_894 = tpu.memref_squeeze %dma_wait3A_893 : memref<1x26x32xf32, #tpu.memory_space<hbm>> -> memref<26x32xf32, #tpu.memory_space<hbm>>
        %dma_wait3A_895 = arith.constant 52 : i32
        %dma_wait3A_896 = arith.constant 0 : i32
        %dma_wait3A_897 = tpu.memref_slice %arg8[%dma_wait3A_882, %dma_wait3A_895, %dma_wait3A_896] : memref<4x104x32xf32, #tpu.memory_space<vmem>> -> memref<1x26x32xf32, #tpu.memory_space<vmem>>
        %dma_wait3A_898 = tpu.memref_squeeze %dma_wait3A_897 : memref<1x26x32xf32, #tpu.memory_space<vmem>> -> memref<26x32xf32, #tpu.memory_space<vmem>>
        tpu.wait_dma2 semaphore(%arg13 : memref<!tpu.dma_semaphore, #tpu.memory_space<semaphore_mem>>) src(%dma_wait3A_898 : memref<26x32xf32, #tpu.memory_space<vmem>>) dst(%dma_wait3A_894 : memref<26x32xf32, #tpu.memory_space<hbm>>)
        %mul3A_899 = arith.constant 4 : i32
        %mul3A_900 = arith.muli %sub3A_832, %mul3A_899 : i32
        %add3A_901 = arith.addi %mul3A_2, %mul3A_900 : i32
        %add3A_902 = arith.constant 3 : i32
        %add3A_903 = arith.addi %add3A_901, %add3A_902 : i32
        %dma_wait3A_904 = arith.constant 0 : i32
        %dma_wait3A_905 = arith.constant 78 : i32
        %dma_wait3A_906 = arith.constant 0 : i32
        %dma_wait3A_907 = tpu.memref_slice %arg8[%dma_wait3A_904, %dma_wait3A_905, %dma_wait3A_906] : memref<4x104x32xf32, #tpu.memory_space<vmem>> -> memref<1x26x32xf32, #tpu.memory_space<vmem>>
        %dma_wait3A_908 = tpu.memref_squeeze %dma_wait3A_907 : memref<1x26x32xf32, #tpu.memory_space<vmem>> -> memref<26x32xf32, #tpu.memory_space<vmem>>
        %dma_wait3A_909 = arith.constant 0 : i32
        %dma_wait3A_910 = arith.constant 0 : i32
        %dma_wait3A_911 = tpu.memref_slice %arg5[%add3A_903, %dma_wait3A_909, %dma_wait3A_910] : memref<16384x26x32xf32, #tpu.memory_space<hbm>> -> memref<1x26x32xf32, #tpu.memory_space<hbm>>
        %dma_wait3A_912 = tpu.memref_squeeze %dma_wait3A_911 : memref<1x26x32xf32, #tpu.memory_space<hbm>> -> memref<26x32xf32, #tpu.memory_space<hbm>>
        %dma_wait3A_913 = arith.constant 0 : i32
        %dma_wait3A_914 = arith.constant 0 : i32
        %dma_wait3A_915 = tpu.memref_slice %arg5[%add3A_903, %dma_wait3A_913, %dma_wait3A_914] : memref<16384x26x32xf32, #tpu.memory_space<hbm>> -> memref<1x26x32xf32, #tpu.memory_space<hbm>>
        %dma_wait3A_916 = tpu.memref_squeeze %dma_wait3A_915 : memref<1x26x32xf32, #tpu.memory_space<hbm>> -> memref<26x32xf32, #tpu.memory_space<hbm>>
        %dma_wait3A_917 = arith.constant 78 : i32
        %dma_wait3A_918 = arith.constant 0 : i32
        %dma_wait3A_919 = tpu.memref_slice %arg8[%dma_wait3A_904, %dma_wait3A_917, %dma_wait3A_918] : memref<4x104x32xf32, #tpu.memory_space<vmem>> -> memref<1x26x32xf32, #tpu.memory_space<vmem>>
        %dma_wait3A_920 = tpu.memref_squeeze %dma_wait3A_919 : memref<1x26x32xf32, #tpu.memory_space<vmem>> -> memref<26x32xf32, #tpu.memory_space<vmem>>
        tpu.wait_dma2 semaphore(%arg13 : memref<!tpu.dma_semaphore, #tpu.memory_space<semaphore_mem>>) src(%dma_wait3A_920 : memref<26x32xf32, #tpu.memory_space<vmem>>) dst(%dma_wait3A_916 : memref<26x32xf32, #tpu.memory_space<hbm>>)
      } else {
      }
      %lt3A_711 = arith.constant 128 : i32
      %lt3A_712 = arith.cmpi slt, %add3A_702, %lt3A_711 : i32
      %convert_element_type3A_713 = arith.extui %lt3A_712 : i1 to i32
      %cond3A_714 = arith.constant 0 : i32
      %cond3A_715 = arith.cmpi ne, %convert_element_type3A_713, %cond3A_714 : i32
      scf.if %cond3A_715 {
        %mul3A_832 = arith.constant 104 : i32
        %mul3A_833 = arith.muli %add3A_702, %mul3A_832 : i32
        %dma_start3A_834 = arith.constant 0 : i32
        %dma_start3A_835 = arith.constant 0 : i32
        %dma_start3A_836 = arith.constant 0 : i32
        %dma_start3A_837 = tpu.memref_slice %arg8[%dma_start3A_834, %dma_start3A_835, %dma_start3A_836] : memref<4x104x32xf32, #tpu.memory_space<vmem>> -> memref<1x104x32xf32, #tpu.memory_space<vmem>>
        %dma_start3A_838 = tpu.memref_squeeze %dma_start3A_837 : memref<1x104x32xf32, #tpu.memory_space<vmem>> -> memref<104x32xf32, #tpu.memory_space<vmem>>
        %dma_start3A_839 = tpu.memref_slice %arg6[%mul3A_833] : memref<13312xi32, #tpu.memory_space<vmem>> -> memref<104xi32, #tpu.memory_space<vmem>>
        %dma_start3A_840 = arith.constant 0 : i32
        %dma_start3A_841 = arith.constant 0 : i32
        %dma_start3A_842 = tpu.memref_slice %arg2[%dma_start3A_840, %dma_start3A_841] : memref<2600000x32xf32, #tpu.memory_space<hbm>> -> memref<2600000x32xf32, #tpu.memory_space<hbm>>
        tpu.enqueue_indirect_dma source(%dma_start3A_842 : memref<2600000x32xf32, #tpu.memory_space<hbm>>) target(%dma_start3A_838 : memref<104x32xf32, #tpu.memory_space<vmem>>) offsets(%dma_start3A_839 : memref<104xi32, #tpu.memory_space<vmem>>) semaphore(%arg9 : memref<!tpu.dma_semaphore, #tpu.memory_space<semaphore_mem>>)
      } else {
      }
      %add3A_716 = arith.constant 3 : i32
      %add3A_717 = arith.addi %mul3A_372, %add3A_716 : i32
      %mul3A_718 = arith.constant 104 : i32
      %mul3A_719 = arith.muli %add3A_717, %mul3A_718 : i32
      %dma_wait3A_720 = arith.constant 3 : i32
      %dma_wait3A_721 = arith.constant 0 : i32
      %dma_wait3A_722 = arith.constant 0 : i32
      %dma_wait3A_723 = tpu.memref_slice %arg8[%dma_wait3A_720, %dma_wait3A_721, %dma_wait3A_722] : memref<4x104x32xf32, #tpu.memory_space<vmem>> -> memref<1x104x32xf32, #tpu.memory_space<vmem>>
      %dma_wait3A_724 = tpu.memref_squeeze %dma_wait3A_723 : memref<1x104x32xf32, #tpu.memory_space<vmem>> -> memref<104x32xf32, #tpu.memory_space<vmem>>
      %dma_wait3A_725 = tpu.memref_slice %arg6[%mul3A_719] : memref<13312xi32, #tpu.memory_space<vmem>> -> memref<104xi32, #tpu.memory_space<vmem>>
      %dma_wait3A_726 = arith.constant 0 : i32
      %dma_wait3A_727 = arith.constant 0 : i32
      %dma_wait3A_728 = tpu.memref_slice %arg2[%dma_wait3A_726, %dma_wait3A_727] : memref<2600000x32xf32, #tpu.memory_space<hbm>> -> memref<2600000x32xf32, #tpu.memory_space<hbm>>
      tpu.wait_indirect_dma semaphore(%arg12 : memref<!tpu.dma_semaphore, #tpu.memory_space<semaphore_mem>>) src(%dma_wait3A_728 : memref<2600000x32xf32, #tpu.memory_space<hbm>>) dst(%dma_wait3A_724 : memref<104x32xf32, #tpu.memory_space<vmem>>)
      %mul3A_729 = arith.constant 4 : i32
      %mul3A_730 = arith.muli %add3A_717, %mul3A_729 : i32
      %add3A_731 = arith.addi %mul3A_2, %mul3A_730 : i32
      %add3A_732 = arith.constant 0 : i32
      %add3A_733 = arith.addi %add3A_731, %add3A_732 : i32
      %dma_start3A_734 = arith.constant 3 : i32
      %dma_start3A_735 = arith.constant 0 : i32
      %dma_start3A_736 = arith.constant 0 : i32
      %dma_start3A_737 = tpu.memref_slice %arg8[%dma_start3A_734, %dma_start3A_735, %dma_start3A_736] : memref<4x104x32xf32, #tpu.memory_space<vmem>> -> memref<1x26x32xf32, #tpu.memory_space<vmem>>
      %dma_start3A_738 = tpu.memref_squeeze %dma_start3A_737 : memref<1x26x32xf32, #tpu.memory_space<vmem>> -> memref<26x32xf32, #tpu.memory_space<vmem>>
      %dma_start3A_739 = arith.constant 0 : i32
      %dma_start3A_740 = arith.constant 0 : i32
      %dma_start3A_741 = tpu.memref_slice %arg5[%add3A_733, %dma_start3A_739, %dma_start3A_740] : memref<16384x26x32xf32, #tpu.memory_space<hbm>> -> memref<1x26x32xf32, #tpu.memory_space<hbm>>
      %dma_start3A_742 = tpu.memref_squeeze %dma_start3A_741 : memref<1x26x32xf32, #tpu.memory_space<hbm>> -> memref<26x32xf32, #tpu.memory_space<hbm>>
      %dma_start3A_743 = arith.constant 0 : i32
      %dma_start3A_744 = arith.constant 0 : i32
      %dma_start3A_745 = tpu.memref_slice %arg5[%add3A_733, %dma_start3A_743, %dma_start3A_744] : memref<16384x26x32xf32, #tpu.memory_space<hbm>> -> memref<1x26x32xf32, #tpu.memory_space<hbm>>
      %dma_start3A_746 = tpu.memref_squeeze %dma_start3A_745 : memref<1x26x32xf32, #tpu.memory_space<hbm>> -> memref<26x32xf32, #tpu.memory_space<hbm>>
      %dma_start3A_747 = arith.constant 0 : i32
      %dma_start3A_748 = arith.constant 0 : i32
      %dma_start3A_749 = tpu.memref_slice %arg8[%dma_start3A_734, %dma_start3A_747, %dma_start3A_748] : memref<4x104x32xf32, #tpu.memory_space<vmem>> -> memref<1x26x32xf32, #tpu.memory_space<vmem>>
      %dma_start3A_750 = tpu.memref_squeeze %dma_start3A_749 : memref<1x26x32xf32, #tpu.memory_space<vmem>> -> memref<26x32xf32, #tpu.memory_space<vmem>>
      tpu.enqueue_dma source(%dma_start3A_750 : memref<26x32xf32, #tpu.memory_space<vmem>>) target(%dma_start3A_746 : memref<26x32xf32, #tpu.memory_space<hbm>>) target_semaphore(%arg16 : memref<!tpu.dma_semaphore, #tpu.memory_space<semaphore_mem>>)
      %mul3A_751 = arith.constant 4 : i32
      %mul3A_752 = arith.muli %add3A_717, %mul3A_751 : i32
      %add3A_753 = arith.addi %mul3A_2, %mul3A_752 : i32
      %add3A_754 = arith.constant 1 : i32
      %add3A_755 = arith.addi %add3A_753, %add3A_754 : i32
      %dma_start3A_756 = arith.constant 3 : i32
      %dma_start3A_757 = arith.constant 26 : i32
      %dma_start3A_758 = arith.constant 0 : i32
      %dma_start3A_759 = tpu.memref_slice %arg8[%dma_start3A_756, %dma_start3A_757, %dma_start3A_758] : memref<4x104x32xf32, #tpu.memory_space<vmem>> -> memref<1x26x32xf32, #tpu.memory_space<vmem>>
      %dma_start3A_760 = tpu.memref_squeeze %dma_start3A_759 : memref<1x26x32xf32, #tpu.memory_space<vmem>> -> memref<26x32xf32, #tpu.memory_space<vmem>>
      %dma_start3A_761 = arith.constant 0 : i32
      %dma_start3A_762 = arith.constant 0 : i32
      %dma_start3A_763 = tpu.memref_slice %arg5[%add3A_755, %dma_start3A_761, %dma_start3A_762] : memref<16384x26x32xf32, #tpu.memory_space<hbm>> -> memref<1x26x32xf32, #tpu.memory_space<hbm>>
      %dma_start3A_764 = tpu.memref_squeeze %dma_start3A_763 : memref<1x26x32xf32, #tpu.memory_space<hbm>> -> memref<26x32xf32, #tpu.memory_space<hbm>>
      %dma_start3A_765 = arith.constant 0 : i32
      %dma_start3A_766 = arith.constant 0 : i32
      %dma_start3A_767 = tpu.memref_slice %arg5[%add3A_755, %dma_start3A_765, %dma_start3A_766] : memref<16384x26x32xf32, #tpu.memory_space<hbm>> -> memref<1x26x32xf32, #tpu.memory_space<hbm>>
      %dma_start3A_768 = tpu.memref_squeeze %dma_start3A_767 : memref<1x26x32xf32, #tpu.memory_space<hbm>> -> memref<26x32xf32, #tpu.memory_space<hbm>>
      %dma_start3A_769 = arith.constant 26 : i32
      %dma_start3A_770 = arith.constant 0 : i32
      %dma_start3A_771 = tpu.memref_slice %arg8[%dma_start3A_756, %dma_start3A_769, %dma_start3A_770] : memref<4x104x32xf32, #tpu.memory_space<vmem>> -> memref<1x26x32xf32, #tpu.memory_space<vmem>>
      %dma_start3A_772 = tpu.memref_squeeze %dma_start3A_771 : memref<1x26x32xf32, #tpu.memory_space<vmem>> -> memref<26x32xf32, #tpu.memory_space<vmem>>
      tpu.enqueue_dma source(%dma_start3A_772 : memref<26x32xf32, #tpu.memory_space<vmem>>) target(%dma_start3A_768 : memref<26x32xf32, #tpu.memory_space<hbm>>) target_semaphore(%arg16 : memref<!tpu.dma_semaphore, #tpu.memory_space<semaphore_mem>>)
      %mul3A_773 = arith.constant 4 : i32
      %mul3A_774 = arith.muli %add3A_717, %mul3A_773 : i32
      %add3A_775 = arith.addi %mul3A_2, %mul3A_774 : i32
      %add3A_776 = arith.constant 2 : i32
      %add3A_777 = arith.addi %add3A_775, %add3A_776 : i32
      %dma_start3A_778 = arith.constant 3 : i32
      %dma_start3A_779 = arith.constant 52 : i32
      %dma_start3A_780 = arith.constant 0 : i32
      %dma_start3A_781 = tpu.memref_slice %arg8[%dma_start3A_778, %dma_start3A_779, %dma_start3A_780] : memref<4x104x32xf32, #tpu.memory_space<vmem>> -> memref<1x26x32xf32, #tpu.memory_space<vmem>>
      %dma_start3A_782 = tpu.memref_squeeze %dma_start3A_781 : memref<1x26x32xf32, #tpu.memory_space<vmem>> -> memref<26x32xf32, #tpu.memory_space<vmem>>
      %dma_start3A_783 = arith.constant 0 : i32
      %dma_start3A_784 = arith.constant 0 : i32
      %dma_start3A_785 = tpu.memref_slice %arg5[%add3A_777, %dma_start3A_783, %dma_start3A_784] : memref<16384x26x32xf32, #tpu.memory_space<hbm>> -> memref<1x26x32xf32, #tpu.memory_space<hbm>>
      %dma_start3A_786 = tpu.memref_squeeze %dma_start3A_785 : memref<1x26x32xf32, #tpu.memory_space<hbm>> -> memref<26x32xf32, #tpu.memory_space<hbm>>
      %dma_start3A_787 = arith.constant 0 : i32
      %dma_start3A_788 = arith.constant 0 : i32
      %dma_start3A_789 = tpu.memref_slice %arg5[%add3A_777, %dma_start3A_787, %dma_start3A_788] : memref<16384x26x32xf32, #tpu.memory_space<hbm>> -> memref<1x26x32xf32, #tpu.memory_space<hbm>>
      %dma_start3A_790 = tpu.memref_squeeze %dma_start3A_789 : memref<1x26x32xf32, #tpu.memory_space<hbm>> -> memref<26x32xf32, #tpu.memory_space<hbm>>
      %dma_start3A_791 = arith.constant 52 : i32
      %dma_start3A_792 = arith.constant 0 : i32
      %dma_start3A_793 = tpu.memref_slice %arg8[%dma_start3A_778, %dma_start3A_791, %dma_start3A_792] : memref<4x104x32xf32, #tpu.memory_space<vmem>> -> memref<1x26x32xf32, #tpu.memory_space<vmem>>
      %dma_start3A_794 = tpu.memref_squeeze %dma_start3A_793 : memref<1x26x32xf32, #tpu.memory_space<vmem>> -> memref<26x32xf32, #tpu.memory_space<vmem>>
      tpu.enqueue_dma source(%dma_start3A_794 : memref<26x32xf32, #tpu.memory_space<vmem>>) target(%dma_start3A_790 : memref<26x32xf32, #tpu.memory_space<hbm>>) target_semaphore(%arg16 : memref<!tpu.dma_semaphore, #tpu.memory_space<semaphore_mem>>)
      %mul3A_795 = arith.constant 4 : i32
      %mul3A_796 = arith.muli %add3A_717, %mul3A_795 : i32
      %add3A_797 = arith.addi %mul3A_2, %mul3A_796 : i32
      %add3A_798 = arith.constant 3 : i32
      %add3A_799 = arith.addi %add3A_797, %add3A_798 : i32
      %dma_start3A_800 = arith.constant 3 : i32
      %dma_start3A_801 = arith.constant 78 : i32
      %dma_start3A_802 = arith.constant 0 : i32
      %dma_start3A_803 = tpu.memref_slice %arg8[%dma_start3A_800, %dma_start3A_801, %dma_start3A_802] : memref<4x104x32xf32, #tpu.memory_space<vmem>> -> memref<1x26x32xf32, #tpu.memory_space<vmem>>
      %dma_start3A_804 = tpu.memref_squeeze %dma_start3A_803 : memref<1x26x32xf32, #tpu.memory_space<vmem>> -> memref<26x32xf32, #tpu.memory_space<vmem>>
      %dma_start3A_805 = arith.constant 0 : i32
      %dma_start3A_806 = arith.constant 0 : i32
      %dma_start3A_807 = tpu.memref_slice %arg5[%add3A_799, %dma_start3A_805, %dma_start3A_806] : memref<16384x26x32xf32, #tpu.memory_space<hbm>> -> memref<1x26x32xf32, #tpu.memory_space<hbm>>
      %dma_start3A_808 = tpu.memref_squeeze %dma_start3A_807 : memref<1x26x32xf32, #tpu.memory_space<hbm>> -> memref<26x32xf32, #tpu.memory_space<hbm>>
      %dma_start3A_809 = arith.constant 0 : i32
      %dma_start3A_810 = arith.constant 0 : i32
      %dma_start3A_811 = tpu.memref_slice %arg5[%add3A_799, %dma_start3A_809, %dma_start3A_810] : memref<16384x26x32xf32, #tpu.memory_space<hbm>> -> memref<1x26x32xf32, #tpu.memory_space<hbm>>
      %dma_start3A_812 = tpu.memref_squeeze %dma_start3A_811 : memref<1x26x32xf32, #tpu.memory_space<hbm>> -> memref<26x32xf32, #tpu.memory_space<hbm>>
      %dma_start3A_813 = arith.constant 78 : i32
      %dma_start3A_814 = arith.constant 0 : i32
      %dma_start3A_815 = tpu.memref_slice %arg8[%dma_start3A_800, %dma_start3A_813, %dma_start3A_814] : memref<4x104x32xf32, #tpu.memory_space<vmem>> -> memref<1x26x32xf32, #tpu.memory_space<vmem>>
      %dma_start3A_816 = tpu.memref_squeeze %dma_start3A_815 : memref<1x26x32xf32, #tpu.memory_space<vmem>> -> memref<26x32xf32, #tpu.memory_space<vmem>>
      tpu.enqueue_dma source(%dma_start3A_816 : memref<26x32xf32, #tpu.memory_space<vmem>>) target(%dma_start3A_812 : memref<26x32xf32, #tpu.memory_space<hbm>>) target_semaphore(%arg16 : memref<!tpu.dma_semaphore, #tpu.memory_space<semaphore_mem>>)
      %add3A_817 = arith.constant 2 : i32
      %add3A_818 = arith.addi %add3A_717, %add3A_817 : i32
      %lt3A_819 = arith.constant 128 : i32
      %lt3A_820 = arith.cmpi slt, %add3A_818, %lt3A_819 : i32
      %ge3A_821 = arith.constant 4 : i32
      %ge3A_822 = arith.cmpi sge, %add3A_818, %ge3A_821 : i32
      %and3A_823 = arith.andi %lt3A_820, %ge3A_822 : i1
      %convert_element_type3A_824 = arith.extui %and3A_823 : i1 to i32
      %cond3A_825 = arith.constant 0 : i32
      %cond3A_826 = arith.cmpi ne, %convert_element_type3A_824, %cond3A_825 : i32
      scf.if %cond3A_826 {
        %sub3A = arith.constant 4 : i32
        %sub3A_832 = arith.subi %add3A_818, %sub3A : i32
        %mul3A_833 = arith.constant 4 : i32
        %mul3A_834 = arith.muli %sub3A_832, %mul3A_833 : i32
        %add3A_835 = arith.addi %mul3A_2, %mul3A_834 : i32
        %add3A_836 = arith.constant 0 : i32
        %add3A_837 = arith.addi %add3A_835, %add3A_836 : i32
        %dma_wait3A_838 = arith.constant 1 : i32
        %dma_wait3A_839 = arith.constant 0 : i32
        %dma_wait3A_840 = arith.constant 0 : i32
        %dma_wait3A_841 = tpu.memref_slice %arg8[%dma_wait3A_838, %dma_wait3A_839, %dma_wait3A_840] : memref<4x104x32xf32, #tpu.memory_space<vmem>> -> memref<1x26x32xf32, #tpu.memory_space<vmem>>
        %dma_wait3A_842 = tpu.memref_squeeze %dma_wait3A_841 : memref<1x26x32xf32, #tpu.memory_space<vmem>> -> memref<26x32xf32, #tpu.memory_space<vmem>>
        %dma_wait3A_843 = arith.constant 0 : i32
        %dma_wait3A_844 = arith.constant 0 : i32
        %dma_wait3A_845 = tpu.memref_slice %arg5[%add3A_837, %dma_wait3A_843, %dma_wait3A_844] : memref<16384x26x32xf32, #tpu.memory_space<hbm>> -> memref<1x26x32xf32, #tpu.memory_space<hbm>>
        %dma_wait3A_846 = tpu.memref_squeeze %dma_wait3A_845 : memref<1x26x32xf32, #tpu.memory_space<hbm>> -> memref<26x32xf32, #tpu.memory_space<hbm>>
        %dma_wait3A_847 = arith.constant 0 : i32
        %dma_wait3A_848 = arith.constant 0 : i32
        %dma_wait3A_849 = tpu.memref_slice %arg5[%add3A_837, %dma_wait3A_847, %dma_wait3A_848] : memref<16384x26x32xf32, #tpu.memory_space<hbm>> -> memref<1x26x32xf32, #tpu.memory_space<hbm>>
        %dma_wait3A_850 = tpu.memref_squeeze %dma_wait3A_849 : memref<1x26x32xf32, #tpu.memory_space<hbm>> -> memref<26x32xf32, #tpu.memory_space<hbm>>
        %dma_wait3A_851 = arith.constant 0 : i32
        %dma_wait3A_852 = arith.constant 0 : i32
        %dma_wait3A_853 = tpu.memref_slice %arg8[%dma_wait3A_838, %dma_wait3A_851, %dma_wait3A_852] : memref<4x104x32xf32, #tpu.memory_space<vmem>> -> memref<1x26x32xf32, #tpu.memory_space<vmem>>
        %dma_wait3A_854 = tpu.memref_squeeze %dma_wait3A_853 : memref<1x26x32xf32, #tpu.memory_space<vmem>> -> memref<26x32xf32, #tpu.memory_space<vmem>>
        tpu.wait_dma2 semaphore(%arg14 : memref<!tpu.dma_semaphore, #tpu.memory_space<semaphore_mem>>) src(%dma_wait3A_854 : memref<26x32xf32, #tpu.memory_space<vmem>>) dst(%dma_wait3A_850 : memref<26x32xf32, #tpu.memory_space<hbm>>)
        %mul3A_855 = arith.constant 4 : i32
        %mul3A_856 = arith.muli %sub3A_832, %mul3A_855 : i32
        %add3A_857 = arith.addi %mul3A_2, %mul3A_856 : i32
        %add3A_858 = arith.constant 1 : i32
        %add3A_859 = arith.addi %add3A_857, %add3A_858 : i32
        %dma_wait3A_860 = arith.constant 1 : i32
        %dma_wait3A_861 = arith.constant 26 : i32
        %dma_wait3A_862 = arith.constant 0 : i32
        %dma_wait3A_863 = tpu.memref_slice %arg8[%dma_wait3A_860, %dma_wait3A_861, %dma_wait3A_862] : memref<4x104x32xf32, #tpu.memory_space<vmem>> -> memref<1x26x32xf32, #tpu.memory_space<vmem>>
        %dma_wait3A_864 = tpu.memref_squeeze %dma_wait3A_863 : memref<1x26x32xf32, #tpu.memory_space<vmem>> -> memref<26x32xf32, #tpu.memory_space<vmem>>
        %dma_wait3A_865 = arith.constant 0 : i32
        %dma_wait3A_866 = arith.constant 0 : i32
        %dma_wait3A_867 = tpu.memref_slice %arg5[%add3A_859, %dma_wait3A_865, %dma_wait3A_866] : memref<16384x26x32xf32, #tpu.memory_space<hbm>> -> memref<1x26x32xf32, #tpu.memory_space<hbm>>
        %dma_wait3A_868 = tpu.memref_squeeze %dma_wait3A_867 : memref<1x26x32xf32, #tpu.memory_space<hbm>> -> memref<26x32xf32, #tpu.memory_space<hbm>>
        %dma_wait3A_869 = arith.constant 0 : i32
        %dma_wait3A_870 = arith.constant 0 : i32
        %dma_wait3A_871 = tpu.memref_slice %arg5[%add3A_859, %dma_wait3A_869, %dma_wait3A_870] : memref<16384x26x32xf32, #tpu.memory_space<hbm>> -> memref<1x26x32xf32, #tpu.memory_space<hbm>>
        %dma_wait3A_872 = tpu.memref_squeeze %dma_wait3A_871 : memref<1x26x32xf32, #tpu.memory_space<hbm>> -> memref<26x32xf32, #tpu.memory_space<hbm>>
        %dma_wait3A_873 = arith.constant 26 : i32
        %dma_wait3A_874 = arith.constant 0 : i32
        %dma_wait3A_875 = tpu.memref_slice %arg8[%dma_wait3A_860, %dma_wait3A_873, %dma_wait3A_874] : memref<4x104x32xf32, #tpu.memory_space<vmem>> -> memref<1x26x32xf32, #tpu.memory_space<vmem>>
        %dma_wait3A_876 = tpu.memref_squeeze %dma_wait3A_875 : memref<1x26x32xf32, #tpu.memory_space<vmem>> -> memref<26x32xf32, #tpu.memory_space<vmem>>
        tpu.wait_dma2 semaphore(%arg14 : memref<!tpu.dma_semaphore, #tpu.memory_space<semaphore_mem>>) src(%dma_wait3A_876 : memref<26x32xf32, #tpu.memory_space<vmem>>) dst(%dma_wait3A_872 : memref<26x32xf32, #tpu.memory_space<hbm>>)
        %mul3A_877 = arith.constant 4 : i32
        %mul3A_878 = arith.muli %sub3A_832, %mul3A_877 : i32
        %add3A_879 = arith.addi %mul3A_2, %mul3A_878 : i32
        %add3A_880 = arith.constant 2 : i32
        %add3A_881 = arith.addi %add3A_879, %add3A_880 : i32
        %dma_wait3A_882 = arith.constant 1 : i32
        %dma_wait3A_883 = arith.constant 52 : i32
        %dma_wait3A_884 = arith.constant 0 : i32
        %dma_wait3A_885 = tpu.memref_slice %arg8[%dma_wait3A_882, %dma_wait3A_883, %dma_wait3A_884] : memref<4x104x32xf32, #tpu.memory_space<vmem>> -> memref<1x26x32xf32, #tpu.memory_space<vmem>>
        %dma_wait3A_886 = tpu.memref_squeeze %dma_wait3A_885 : memref<1x26x32xf32, #tpu.memory_space<vmem>> -> memref<26x32xf32, #tpu.memory_space<vmem>>
        %dma_wait3A_887 = arith.constant 0 : i32
        %dma_wait3A_888 = arith.constant 0 : i32
        %dma_wait3A_889 = tpu.memref_slice %arg5[%add3A_881, %dma_wait3A_887, %dma_wait3A_888] : memref<16384x26x32xf32, #tpu.memory_space<hbm>> -> memref<1x26x32xf32, #tpu.memory_space<hbm>>
        %dma_wait3A_890 = tpu.memref_squeeze %dma_wait3A_889 : memref<1x26x32xf32, #tpu.memory_space<hbm>> -> memref<26x32xf32, #tpu.memory_space<hbm>>
        %dma_wait3A_891 = arith.constant 0 : i32
        %dma_wait3A_892 = arith.constant 0 : i32
        %dma_wait3A_893 = tpu.memref_slice %arg5[%add3A_881, %dma_wait3A_891, %dma_wait3A_892] : memref<16384x26x32xf32, #tpu.memory_space<hbm>> -> memref<1x26x32xf32, #tpu.memory_space<hbm>>
        %dma_wait3A_894 = tpu.memref_squeeze %dma_wait3A_893 : memref<1x26x32xf32, #tpu.memory_space<hbm>> -> memref<26x32xf32, #tpu.memory_space<hbm>>
        %dma_wait3A_895 = arith.constant 52 : i32
        %dma_wait3A_896 = arith.constant 0 : i32
        %dma_wait3A_897 = tpu.memref_slice %arg8[%dma_wait3A_882, %dma_wait3A_895, %dma_wait3A_896] : memref<4x104x32xf32, #tpu.memory_space<vmem>> -> memref<1x26x32xf32, #tpu.memory_space<vmem>>
        %dma_wait3A_898 = tpu.memref_squeeze %dma_wait3A_897 : memref<1x26x32xf32, #tpu.memory_space<vmem>> -> memref<26x32xf32, #tpu.memory_space<vmem>>
        tpu.wait_dma2 semaphore(%arg14 : memref<!tpu.dma_semaphore, #tpu.memory_space<semaphore_mem>>) src(%dma_wait3A_898 : memref<26x32xf32, #tpu.memory_space<vmem>>) dst(%dma_wait3A_894 : memref<26x32xf32, #tpu.memory_space<hbm>>)
        %mul3A_899 = arith.constant 4 : i32
        %mul3A_900 = arith.muli %sub3A_832, %mul3A_899 : i32
        %add3A_901 = arith.addi %mul3A_2, %mul3A_900 : i32
        %add3A_902 = arith.constant 3 : i32
        %add3A_903 = arith.addi %add3A_901, %add3A_902 : i32
        %dma_wait3A_904 = arith.constant 1 : i32
        %dma_wait3A_905 = arith.constant 78 : i32
        %dma_wait3A_906 = arith.constant 0 : i32
        %dma_wait3A_907 = tpu.memref_slice %arg8[%dma_wait3A_904, %dma_wait3A_905, %dma_wait3A_906] : memref<4x104x32xf32, #tpu.memory_space<vmem>> -> memref<1x26x32xf32, #tpu.memory_space<vmem>>
        %dma_wait3A_908 = tpu.memref_squeeze %dma_wait3A_907 : memref<1x26x32xf32, #tpu.memory_space<vmem>> -> memref<26x32xf32, #tpu.memory_space<vmem>>
        %dma_wait3A_909 = arith.constant 0 : i32
        %dma_wait3A_910 = arith.constant 0 : i32
        %dma_wait3A_911 = tpu.memref_slice %arg5[%add3A_903, %dma_wait3A_909, %dma_wait3A_910] : memref<16384x26x32xf32, #tpu.memory_space<hbm>> -> memref<1x26x32xf32, #tpu.memory_space<hbm>>
        %dma_wait3A_912 = tpu.memref_squeeze %dma_wait3A_911 : memref<1x26x32xf32, #tpu.memory_space<hbm>> -> memref<26x32xf32, #tpu.memory_space<hbm>>
        %dma_wait3A_913 = arith.constant 0 : i32
        %dma_wait3A_914 = arith.constant 0 : i32
        %dma_wait3A_915 = tpu.memref_slice %arg5[%add3A_903, %dma_wait3A_913, %dma_wait3A_914] : memref<16384x26x32xf32, #tpu.memory_space<hbm>> -> memref<1x26x32xf32, #tpu.memory_space<hbm>>
        %dma_wait3A_916 = tpu.memref_squeeze %dma_wait3A_915 : memref<1x26x32xf32, #tpu.memory_space<hbm>> -> memref<26x32xf32, #tpu.memory_space<hbm>>
        %dma_wait3A_917 = arith.constant 78 : i32
        %dma_wait3A_918 = arith.constant 0 : i32
        %dma_wait3A_919 = tpu.memref_slice %arg8[%dma_wait3A_904, %dma_wait3A_917, %dma_wait3A_918] : memref<4x104x32xf32, #tpu.memory_space<vmem>> -> memref<1x26x32xf32, #tpu.memory_space<vmem>>
        %dma_wait3A_920 = tpu.memref_squeeze %dma_wait3A_919 : memref<1x26x32xf32, #tpu.memory_space<vmem>> -> memref<26x32xf32, #tpu.memory_space<vmem>>
        tpu.wait_dma2 semaphore(%arg14 : memref<!tpu.dma_semaphore, #tpu.memory_space<semaphore_mem>>) src(%dma_wait3A_920 : memref<26x32xf32, #tpu.memory_space<vmem>>) dst(%dma_wait3A_916 : memref<26x32xf32, #tpu.memory_space<hbm>>)
      } else {
      }
      %lt3A_827 = arith.constant 128 : i32
      %lt3A_828 = arith.cmpi slt, %add3A_818, %lt3A_827 : i32
      %convert_element_type3A_829 = arith.extui %lt3A_828 : i1 to i32
      %cond3A_830 = arith.constant 0 : i32
      %cond3A_831 = arith.cmpi ne, %convert_element_type3A_829, %cond3A_830 : i32
      scf.if %cond3A_831 {
        %mul3A_832 = arith.constant 104 : i32
        %mul3A_833 = arith.muli %add3A_818, %mul3A_832 : i32
        %dma_start3A_834 = arith.constant 1 : i32
        %dma_start3A_835 = arith.constant 0 : i32
        %dma_start3A_836 = arith.constant 0 : i32
        %dma_start3A_837 = tpu.memref_slice %arg8[%dma_start3A_834, %dma_start3A_835, %dma_start3A_836] : memref<4x104x32xf32, #tpu.memory_space<vmem>> -> memref<1x104x32xf32, #tpu.memory_space<vmem>>
        %dma_start3A_838 = tpu.memref_squeeze %dma_start3A_837 : memref<1x104x32xf32, #tpu.memory_space<vmem>> -> memref<104x32xf32, #tpu.memory_space<vmem>>
        %dma_start3A_839 = tpu.memref_slice %arg6[%mul3A_833] : memref<13312xi32, #tpu.memory_space<vmem>> -> memref<104xi32, #tpu.memory_space<vmem>>
        %dma_start3A_840 = arith.constant 0 : i32
        %dma_start3A_841 = arith.constant 0 : i32
        %dma_start3A_842 = tpu.memref_slice %arg2[%dma_start3A_840, %dma_start3A_841] : memref<2600000x32xf32, #tpu.memory_space<hbm>> -> memref<2600000x32xf32, #tpu.memory_space<hbm>>
        tpu.enqueue_indirect_dma source(%dma_start3A_842 : memref<2600000x32xf32, #tpu.memory_space<hbm>>) target(%dma_start3A_838 : memref<104x32xf32, #tpu.memory_space<vmem>>) offsets(%dma_start3A_839 : memref<104xi32, #tpu.memory_space<vmem>>) semaphore(%arg10 : memref<!tpu.dma_semaphore, #tpu.memory_space<semaphore_mem>>)
      } else {
      }
    }
    %scan3A_34 = arith.constant 32 : i32
    %add3A_35 = arith.constant 496 : i32
    %add3A_36 = arith.addi %mul3A_2, %add3A_35 : i32
    %add3A_37 = arith.constant 0 : i32
    %add3A_38 = arith.addi %add3A_36, %add3A_37 : i32
    %dma_wait3A = arith.constant 0 : i32
    %dma_wait3A_39 = arith.constant 0 : i32
    %dma_wait3A_40 = arith.constant 0 : i32
    %dma_wait3A_41 = tpu.memref_slice %arg8[%dma_wait3A, %dma_wait3A_39, %dma_wait3A_40] : memref<4x104x32xf32, #tpu.memory_space<vmem>> -> memref<1x26x32xf32, #tpu.memory_space<vmem>>
    %dma_wait3A_42 = tpu.memref_squeeze %dma_wait3A_41 : memref<1x26x32xf32, #tpu.memory_space<vmem>> -> memref<26x32xf32, #tpu.memory_space<vmem>>
    %dma_wait3A_43 = arith.constant 0 : i32
    %dma_wait3A_44 = arith.constant 0 : i32
    %dma_wait3A_45 = tpu.memref_slice %arg5[%add3A_38, %dma_wait3A_43, %dma_wait3A_44] : memref<16384x26x32xf32, #tpu.memory_space<hbm>> -> memref<1x26x32xf32, #tpu.memory_space<hbm>>
    %dma_wait3A_46 = tpu.memref_squeeze %dma_wait3A_45 : memref<1x26x32xf32, #tpu.memory_space<hbm>> -> memref<26x32xf32, #tpu.memory_space<hbm>>
    %dma_wait3A_47 = arith.constant 0 : i32
    %dma_wait3A_48 = arith.constant 0 : i32
    %dma_wait3A_49 = tpu.memref_slice %arg5[%add3A_38, %dma_wait3A_47, %dma_wait3A_48] : memref<16384x26x32xf32, #tpu.memory_space<hbm>> -> memref<1x26x32xf32, #tpu.memory_space<hbm>>
    %dma_wait3A_50 = tpu.memref_squeeze %dma_wait3A_49 : memref<1x26x32xf32, #tpu.memory_space<hbm>> -> memref<26x32xf32, #tpu.memory_space<hbm>>
    %dma_wait3A_51 = arith.constant 0 : i32
    %dma_wait3A_52 = arith.constant 0 : i32
    %dma_wait3A_53 = tpu.memref_slice %arg8[%dma_wait3A, %dma_wait3A_51, %dma_wait3A_52] : memref<4x104x32xf32, #tpu.memory_space<vmem>> -> memref<1x26x32xf32, #tpu.memory_space<vmem>>
    %dma_wait3A_54 = tpu.memref_squeeze %dma_wait3A_53 : memref<1x26x32xf32, #tpu.memory_space<vmem>> -> memref<26x32xf32, #tpu.memory_space<vmem>>
    tpu.wait_dma2 semaphore(%arg13 : memref<!tpu.dma_semaphore, #tpu.memory_space<semaphore_mem>>) src(%dma_wait3A_54 : memref<26x32xf32, #tpu.memory_space<vmem>>) dst(%dma_wait3A_50 : memref<26x32xf32, #tpu.memory_space<hbm>>)
    %add3A_55 = arith.constant 496 : i32
    %add3A_56 = arith.addi %mul3A_2, %add3A_55 : i32
    %add3A_57 = arith.constant 1 : i32
    %add3A_58 = arith.addi %add3A_56, %add3A_57 : i32
    %dma_wait3A_59 = arith.constant 0 : i32
    %dma_wait3A_60 = arith.constant 26 : i32
    %dma_wait3A_61 = arith.constant 0 : i32
    %dma_wait3A_62 = tpu.memref_slice %arg8[%dma_wait3A_59, %dma_wait3A_60, %dma_wait3A_61] : memref<4x104x32xf32, #tpu.memory_space<vmem>> -> memref<1x26x32xf32, #tpu.memory_space<vmem>>
    %dma_wait3A_63 = tpu.memref_squeeze %dma_wait3A_62 : memref<1x26x32xf32, #tpu.memory_space<vmem>> -> memref<26x32xf32, #tpu.memory_space<vmem>>
    %dma_wait3A_64 = arith.constant 0 : i32
    %dma_wait3A_65 = arith.constant 0 : i32
    %dma_wait3A_66 = tpu.memref_slice %arg5[%add3A_58, %dma_wait3A_64, %dma_wait3A_65] : memref<16384x26x32xf32, #tpu.memory_space<hbm>> -> memref<1x26x32xf32, #tpu.memory_space<hbm>>
    %dma_wait3A_67 = tpu.memref_squeeze %dma_wait3A_66 : memref<1x26x32xf32, #tpu.memory_space<hbm>> -> memref<26x32xf32, #tpu.memory_space<hbm>>
    %dma_wait3A_68 = arith.constant 0 : i32
    %dma_wait3A_69 = arith.constant 0 : i32
    %dma_wait3A_70 = tpu.memref_slice %arg5[%add3A_58, %dma_wait3A_68, %dma_wait3A_69] : memref<16384x26x32xf32, #tpu.memory_space<hbm>> -> memref<1x26x32xf32, #tpu.memory_space<hbm>>
    %dma_wait3A_71 = tpu.memref_squeeze %dma_wait3A_70 : memref<1x26x32xf32, #tpu.memory_space<hbm>> -> memref<26x32xf32, #tpu.memory_space<hbm>>
    %dma_wait3A_72 = arith.constant 26 : i32
    %dma_wait3A_73 = arith.constant 0 : i32
    %dma_wait3A_74 = tpu.memref_slice %arg8[%dma_wait3A_59, %dma_wait3A_72, %dma_wait3A_73] : memref<4x104x32xf32, #tpu.memory_space<vmem>> -> memref<1x26x32xf32, #tpu.memory_space<vmem>>
    %dma_wait3A_75 = tpu.memref_squeeze %dma_wait3A_74 : memref<1x26x32xf32, #tpu.memory_space<vmem>> -> memref<26x32xf32, #tpu.memory_space<vmem>>
    tpu.wait_dma2 semaphore(%arg13 : memref<!tpu.dma_semaphore, #tpu.memory_space<semaphore_mem>>) src(%dma_wait3A_75 : memref<26x32xf32, #tpu.memory_space<vmem>>) dst(%dma_wait3A_71 : memref<26x32xf32, #tpu.memory_space<hbm>>)
    %add3A_76 = arith.constant 496 : i32
    %add3A_77 = arith.addi %mul3A_2, %add3A_76 : i32
    %add3A_78 = arith.constant 2 : i32
    %add3A_79 = arith.addi %add3A_77, %add3A_78 : i32
    %dma_wait3A_80 = arith.constant 0 : i32
    %dma_wait3A_81 = arith.constant 52 : i32
    %dma_wait3A_82 = arith.constant 0 : i32
    %dma_wait3A_83 = tpu.memref_slice %arg8[%dma_wait3A_80, %dma_wait3A_81, %dma_wait3A_82] : memref<4x104x32xf32, #tpu.memory_space<vmem>> -> memref<1x26x32xf32, #tpu.memory_space<vmem>>
    %dma_wait3A_84 = tpu.memref_squeeze %dma_wait3A_83 : memref<1x26x32xf32, #tpu.memory_space<vmem>> -> memref<26x32xf32, #tpu.memory_space<vmem>>
    %dma_wait3A_85 = arith.constant 0 : i32
    %dma_wait3A_86 = arith.constant 0 : i32
    %dma_wait3A_87 = tpu.memref_slice %arg5[%add3A_79, %dma_wait3A_85, %dma_wait3A_86] : memref<16384x26x32xf32, #tpu.memory_space<hbm>> -> memref<1x26x32xf32, #tpu.memory_space<hbm>>
    %dma_wait3A_88 = tpu.memref_squeeze %dma_wait3A_87 : memref<1x26x32xf32, #tpu.memory_space<hbm>> -> memref<26x32xf32, #tpu.memory_space<hbm>>
    %dma_wait3A_89 = arith.constant 0 : i32
    %dma_wait3A_90 = arith.constant 0 : i32
    %dma_wait3A_91 = tpu.memref_slice %arg5[%add3A_79, %dma_wait3A_89, %dma_wait3A_90] : memref<16384x26x32xf32, #tpu.memory_space<hbm>> -> memref<1x26x32xf32, #tpu.memory_space<hbm>>
    %dma_wait3A_92 = tpu.memref_squeeze %dma_wait3A_91 : memref<1x26x32xf32, #tpu.memory_space<hbm>> -> memref<26x32xf32, #tpu.memory_space<hbm>>
    %dma_wait3A_93 = arith.constant 52 : i32
    %dma_wait3A_94 = arith.constant 0 : i32
    %dma_wait3A_95 = tpu.memref_slice %arg8[%dma_wait3A_80, %dma_wait3A_93, %dma_wait3A_94] : memref<4x104x32xf32, #tpu.memory_space<vmem>> -> memref<1x26x32xf32, #tpu.memory_space<vmem>>
    %dma_wait3A_96 = tpu.memref_squeeze %dma_wait3A_95 : memref<1x26x32xf32, #tpu.memory_space<vmem>> -> memref<26x32xf32, #tpu.memory_space<vmem>>
    tpu.wait_dma2 semaphore(%arg13 : memref<!tpu.dma_semaphore, #tpu.memory_space<semaphore_mem>>) src(%dma_wait3A_96 : memref<26x32xf32, #tpu.memory_space<vmem>>) dst(%dma_wait3A_92 : memref<26x32xf32, #tpu.memory_space<hbm>>)
    %add3A_97 = arith.constant 496 : i32
    %add3A_98 = arith.addi %mul3A_2, %add3A_97 : i32
    %add3A_99 = arith.constant 3 : i32
    %add3A_100 = arith.addi %add3A_98, %add3A_99 : i32
    %dma_wait3A_101 = arith.constant 0 : i32
    %dma_wait3A_102 = arith.constant 78 : i32
    %dma_wait3A_103 = arith.constant 0 : i32
    %dma_wait3A_104 = tpu.memref_slice %arg8[%dma_wait3A_101, %dma_wait3A_102, %dma_wait3A_103] : memref<4x104x32xf32, #tpu.memory_space<vmem>> -> memref<1x26x32xf32, #tpu.memory_space<vmem>>
    %dma_wait3A_105 = tpu.memref_squeeze %dma_wait3A_104 : memref<1x26x32xf32, #tpu.memory_space<vmem>> -> memref<26x32xf32, #tpu.memory_space<vmem>>
    %dma_wait3A_106 = arith.constant 0 : i32
    %dma_wait3A_107 = arith.constant 0 : i32
    %dma_wait3A_108 = tpu.memref_slice %arg5[%add3A_100, %dma_wait3A_106, %dma_wait3A_107] : memref<16384x26x32xf32, #tpu.memory_space<hbm>> -> memref<1x26x32xf32, #tpu.memory_space<hbm>>
    %dma_wait3A_109 = tpu.memref_squeeze %dma_wait3A_108 : memref<1x26x32xf32, #tpu.memory_space<hbm>> -> memref<26x32xf32, #tpu.memory_space<hbm>>
    %dma_wait3A_110 = arith.constant 0 : i32
    %dma_wait3A_111 = arith.constant 0 : i32
    %dma_wait3A_112 = tpu.memref_slice %arg5[%add3A_100, %dma_wait3A_110, %dma_wait3A_111] : memref<16384x26x32xf32, #tpu.memory_space<hbm>> -> memref<1x26x32xf32, #tpu.memory_space<hbm>>
    %dma_wait3A_113 = tpu.memref_squeeze %dma_wait3A_112 : memref<1x26x32xf32, #tpu.memory_space<hbm>> -> memref<26x32xf32, #tpu.memory_space<hbm>>
    %dma_wait3A_114 = arith.constant 78 : i32
    %dma_wait3A_115 = arith.constant 0 : i32
    %dma_wait3A_116 = tpu.memref_slice %arg8[%dma_wait3A_101, %dma_wait3A_114, %dma_wait3A_115] : memref<4x104x32xf32, #tpu.memory_space<vmem>> -> memref<1x26x32xf32, #tpu.memory_space<vmem>>
    %dma_wait3A_117 = tpu.memref_squeeze %dma_wait3A_116 : memref<1x26x32xf32, #tpu.memory_space<vmem>> -> memref<26x32xf32, #tpu.memory_space<vmem>>
    tpu.wait_dma2 semaphore(%arg13 : memref<!tpu.dma_semaphore, #tpu.memory_space<semaphore_mem>>) src(%dma_wait3A_117 : memref<26x32xf32, #tpu.memory_space<vmem>>) dst(%dma_wait3A_113 : memref<26x32xf32, #tpu.memory_space<hbm>>)
    %add3A_118 = arith.constant 500 : i32
    %add3A_119 = arith.addi %mul3A_2, %add3A_118 : i32
    %add3A_120 = arith.constant 0 : i32
    %add3A_121 = arith.addi %add3A_119, %add3A_120 : i32
    %dma_wait3A_122 = arith.constant 1 : i32
    %dma_wait3A_123 = arith.constant 0 : i32
    %dma_wait3A_124 = arith.constant 0 : i32
    %dma_wait3A_125 = tpu.memref_slice %arg8[%dma_wait3A_122, %dma_wait3A_123, %dma_wait3A_124] : memref<4x104x32xf32, #tpu.memory_space<vmem>> -> memref<1x26x32xf32, #tpu.memory_space<vmem>>
    %dma_wait3A_126 = tpu.memref_squeeze %dma_wait3A_125 : memref<1x26x32xf32, #tpu.memory_space<vmem>> -> memref<26x32xf32, #tpu.memory_space<vmem>>
    %dma_wait3A_127 = arith.constant 0 : i32
    %dma_wait3A_128 = arith.constant 0 : i32
    %dma_wait3A_129 = tpu.memref_slice %arg5[%add3A_121, %dma_wait3A_127, %dma_wait3A_128] : memref<16384x26x32xf32, #tpu.memory_space<hbm>> -> memref<1x26x32xf32, #tpu.memory_space<hbm>>
    %dma_wait3A_130 = tpu.memref_squeeze %dma_wait3A_129 : memref<1x26x32xf32, #tpu.memory_space<hbm>> -> memref<26x32xf32, #tpu.memory_space<hbm>>
    %dma_wait3A_131 = arith.constant 0 : i32
    %dma_wait3A_132 = arith.constant 0 : i32
    %dma_wait3A_133 = tpu.memref_slice %arg5[%add3A_121, %dma_wait3A_131, %dma_wait3A_132] : memref<16384x26x32xf32, #tpu.memory_space<hbm>> -> memref<1x26x32xf32, #tpu.memory_space<hbm>>
    %dma_wait3A_134 = tpu.memref_squeeze %dma_wait3A_133 : memref<1x26x32xf32, #tpu.memory_space<hbm>> -> memref<26x32xf32, #tpu.memory_space<hbm>>
    %dma_wait3A_135 = arith.constant 0 : i32
    %dma_wait3A_136 = arith.constant 0 : i32
    %dma_wait3A_137 = tpu.memref_slice %arg8[%dma_wait3A_122, %dma_wait3A_135, %dma_wait3A_136] : memref<4x104x32xf32, #tpu.memory_space<vmem>> -> memref<1x26x32xf32, #tpu.memory_space<vmem>>
    %dma_wait3A_138 = tpu.memref_squeeze %dma_wait3A_137 : memref<1x26x32xf32, #tpu.memory_space<vmem>> -> memref<26x32xf32, #tpu.memory_space<vmem>>
    tpu.wait_dma2 semaphore(%arg14 : memref<!tpu.dma_semaphore, #tpu.memory_space<semaphore_mem>>) src(%dma_wait3A_138 : memref<26x32xf32, #tpu.memory_space<vmem>>) dst(%dma_wait3A_134 : memref<26x32xf32, #tpu.memory_space<hbm>>)
    %add3A_139 = arith.constant 500 : i32
    %add3A_140 = arith.addi %mul3A_2, %add3A_139 : i32
    %add3A_141 = arith.constant 1 : i32
    %add3A_142 = arith.addi %add3A_140, %add3A_141 : i32
    %dma_wait3A_143 = arith.constant 1 : i32
    %dma_wait3A_144 = arith.constant 26 : i32
    %dma_wait3A_145 = arith.constant 0 : i32
    %dma_wait3A_146 = tpu.memref_slice %arg8[%dma_wait3A_143, %dma_wait3A_144, %dma_wait3A_145] : memref<4x104x32xf32, #tpu.memory_space<vmem>> -> memref<1x26x32xf32, #tpu.memory_space<vmem>>
    %dma_wait3A_147 = tpu.memref_squeeze %dma_wait3A_146 : memref<1x26x32xf32, #tpu.memory_space<vmem>> -> memref<26x32xf32, #tpu.memory_space<vmem>>
    %dma_wait3A_148 = arith.constant 0 : i32
    %dma_wait3A_149 = arith.constant 0 : i32
    %dma_wait3A_150 = tpu.memref_slice %arg5[%add3A_142, %dma_wait3A_148, %dma_wait3A_149] : memref<16384x26x32xf32, #tpu.memory_space<hbm>> -> memref<1x26x32xf32, #tpu.memory_space<hbm>>
    %dma_wait3A_151 = tpu.memref_squeeze %dma_wait3A_150 : memref<1x26x32xf32, #tpu.memory_space<hbm>> -> memref<26x32xf32, #tpu.memory_space<hbm>>
    %dma_wait3A_152 = arith.constant 0 : i32
    %dma_wait3A_153 = arith.constant 0 : i32
    %dma_wait3A_154 = tpu.memref_slice %arg5[%add3A_142, %dma_wait3A_152, %dma_wait3A_153] : memref<16384x26x32xf32, #tpu.memory_space<hbm>> -> memref<1x26x32xf32, #tpu.memory_space<hbm>>
    %dma_wait3A_155 = tpu.memref_squeeze %dma_wait3A_154 : memref<1x26x32xf32, #tpu.memory_space<hbm>> -> memref<26x32xf32, #tpu.memory_space<hbm>>
    %dma_wait3A_156 = arith.constant 26 : i32
    %dma_wait3A_157 = arith.constant 0 : i32
    %dma_wait3A_158 = tpu.memref_slice %arg8[%dma_wait3A_143, %dma_wait3A_156, %dma_wait3A_157] : memref<4x104x32xf32, #tpu.memory_space<vmem>> -> memref<1x26x32xf32, #tpu.memory_space<vmem>>
    %dma_wait3A_159 = tpu.memref_squeeze %dma_wait3A_158 : memref<1x26x32xf32, #tpu.memory_space<vmem>> -> memref<26x32xf32, #tpu.memory_space<vmem>>
    tpu.wait_dma2 semaphore(%arg14 : memref<!tpu.dma_semaphore, #tpu.memory_space<semaphore_mem>>) src(%dma_wait3A_159 : memref<26x32xf32, #tpu.memory_space<vmem>>) dst(%dma_wait3A_155 : memref<26x32xf32, #tpu.memory_space<hbm>>)
    %add3A_160 = arith.constant 500 : i32
    %add3A_161 = arith.addi %mul3A_2, %add3A_160 : i32
    %add3A_162 = arith.constant 2 : i32
    %add3A_163 = arith.addi %add3A_161, %add3A_162 : i32
    %dma_wait3A_164 = arith.constant 1 : i32
    %dma_wait3A_165 = arith.constant 52 : i32
    %dma_wait3A_166 = arith.constant 0 : i32
    %dma_wait3A_167 = tpu.memref_slice %arg8[%dma_wait3A_164, %dma_wait3A_165, %dma_wait3A_166] : memref<4x104x32xf32, #tpu.memory_space<vmem>> -> memref<1x26x32xf32, #tpu.memory_space<vmem>>
    %dma_wait3A_168 = tpu.memref_squeeze %dma_wait3A_167 : memref<1x26x32xf32, #tpu.memory_space<vmem>> -> memref<26x32xf32, #tpu.memory_space<vmem>>
    %dma_wait3A_169 = arith.constant 0 : i32
    %dma_wait3A_170 = arith.constant 0 : i32
    %dma_wait3A_171 = tpu.memref_slice %arg5[%add3A_163, %dma_wait3A_169, %dma_wait3A_170] : memref<16384x26x32xf32, #tpu.memory_space<hbm>> -> memref<1x26x32xf32, #tpu.memory_space<hbm>>
    %dma_wait3A_172 = tpu.memref_squeeze %dma_wait3A_171 : memref<1x26x32xf32, #tpu.memory_space<hbm>> -> memref<26x32xf32, #tpu.memory_space<hbm>>
    %dma_wait3A_173 = arith.constant 0 : i32
    %dma_wait3A_174 = arith.constant 0 : i32
    %dma_wait3A_175 = tpu.memref_slice %arg5[%add3A_163, %dma_wait3A_173, %dma_wait3A_174] : memref<16384x26x32xf32, #tpu.memory_space<hbm>> -> memref<1x26x32xf32, #tpu.memory_space<hbm>>
    %dma_wait3A_176 = tpu.memref_squeeze %dma_wait3A_175 : memref<1x26x32xf32, #tpu.memory_space<hbm>> -> memref<26x32xf32, #tpu.memory_space<hbm>>
    %dma_wait3A_177 = arith.constant 52 : i32
    %dma_wait3A_178 = arith.constant 0 : i32
    %dma_wait3A_179 = tpu.memref_slice %arg8[%dma_wait3A_164, %dma_wait3A_177, %dma_wait3A_178] : memref<4x104x32xf32, #tpu.memory_space<vmem>> -> memref<1x26x32xf32, #tpu.memory_space<vmem>>
    %dma_wait3A_180 = tpu.memref_squeeze %dma_wait3A_179 : memref<1x26x32xf32, #tpu.memory_space<vmem>> -> memref<26x32xf32, #tpu.memory_space<vmem>>
    tpu.wait_dma2 semaphore(%arg14 : memref<!tpu.dma_semaphore, #tpu.memory_space<semaphore_mem>>) src(%dma_wait3A_180 : memref<26x32xf32, #tpu.memory_space<vmem>>) dst(%dma_wait3A_176 : memref<26x32xf32, #tpu.memory_space<hbm>>)
    %add3A_181 = arith.constant 500 : i32
    %add3A_182 = arith.addi %mul3A_2, %add3A_181 : i32
    %add3A_183 = arith.constant 3 : i32
    %add3A_184 = arith.addi %add3A_182, %add3A_183 : i32
    %dma_wait3A_185 = arith.constant 1 : i32
    %dma_wait3A_186 = arith.constant 78 : i32
    %dma_wait3A_187 = arith.constant 0 : i32
    %dma_wait3A_188 = tpu.memref_slice %arg8[%dma_wait3A_185, %dma_wait3A_186, %dma_wait3A_187] : memref<4x104x32xf32, #tpu.memory_space<vmem>> -> memref<1x26x32xf32, #tpu.memory_space<vmem>>
    %dma_wait3A_189 = tpu.memref_squeeze %dma_wait3A_188 : memref<1x26x32xf32, #tpu.memory_space<vmem>> -> memref<26x32xf32, #tpu.memory_space<vmem>>
    %dma_wait3A_190 = arith.constant 0 : i32
    %dma_wait3A_191 = arith.constant 0 : i32
    %dma_wait3A_192 = tpu.memref_slice %arg5[%add3A_184, %dma_wait3A_190, %dma_wait3A_191] : memref<16384x26x32xf32, #tpu.memory_space<hbm>> -> memref<1x26x32xf32, #tpu.memory_space<hbm>>
    %dma_wait3A_193 = tpu.memref_squeeze %dma_wait3A_192 : memref<1x26x32xf32, #tpu.memory_space<hbm>> -> memref<26x32xf32, #tpu.memory_space<hbm>>
    %dma_wait3A_194 = arith.constant 0 : i32
    %dma_wait3A_195 = arith.constant 0 : i32
    %dma_wait3A_196 = tpu.memref_slice %arg5[%add3A_184, %dma_wait3A_194, %dma_wait3A_195] : memref<16384x26x32xf32, #tpu.memory_space<hbm>> -> memref<1x26x32xf32, #tpu.memory_space<hbm>>
    %dma_wait3A_197 = tpu.memref_squeeze %dma_wait3A_196 : memref<1x26x32xf32, #tpu.memory_space<hbm>> -> memref<26x32xf32, #tpu.memory_space<hbm>>
    %dma_wait3A_198 = arith.constant 78 : i32
    %dma_wait3A_199 = arith.constant 0 : i32
    %dma_wait3A_200 = tpu.memref_slice %arg8[%dma_wait3A_185, %dma_wait3A_198, %dma_wait3A_199] : memref<4x104x32xf32, #tpu.memory_space<vmem>> -> memref<1x26x32xf32, #tpu.memory_space<vmem>>
    %dma_wait3A_201 = tpu.memref_squeeze %dma_wait3A_200 : memref<1x26x32xf32, #tpu.memory_space<vmem>> -> memref<26x32xf32, #tpu.memory_space<vmem>>
    tpu.wait_dma2 semaphore(%arg14 : memref<!tpu.dma_semaphore, #tpu.memory_space<semaphore_mem>>) src(%dma_wait3A_201 : memref<26x32xf32, #tpu.memory_space<vmem>>) dst(%dma_wait3A_197 : memref<26x32xf32, #tpu.memory_space<hbm>>)
    %add3A_202 = arith.constant 504 : i32
    %add3A_203 = arith.addi %mul3A_2, %add3A_202 : i32
    %add3A_204 = arith.constant 0 : i32
    %add3A_205 = arith.addi %add3A_203, %add3A_204 : i32
    %dma_wait3A_206 = arith.constant 2 : i32
    %dma_wait3A_207 = arith.constant 0 : i32
    %dma_wait3A_208 = arith.constant 0 : i32
    %dma_wait3A_209 = tpu.memref_slice %arg8[%dma_wait3A_206, %dma_wait3A_207, %dma_wait3A_208] : memref<4x104x32xf32, #tpu.memory_space<vmem>> -> memref<1x26x32xf32, #tpu.memory_space<vmem>>
    %dma_wait3A_210 = tpu.memref_squeeze %dma_wait3A_209 : memref<1x26x32xf32, #tpu.memory_space<vmem>> -> memref<26x32xf32, #tpu.memory_space<vmem>>
    %dma_wait3A_211 = arith.constant 0 : i32
    %dma_wait3A_212 = arith.constant 0 : i32
    %dma_wait3A_213 = tpu.memref_slice %arg5[%add3A_205, %dma_wait3A_211, %dma_wait3A_212] : memref<16384x26x32xf32, #tpu.memory_space<hbm>> -> memref<1x26x32xf32, #tpu.memory_space<hbm>>
    %dma_wait3A_214 = tpu.memref_squeeze %dma_wait3A_213 : memref<1x26x32xf32, #tpu.memory_space<hbm>> -> memref<26x32xf32, #tpu.memory_space<hbm>>
    %dma_wait3A_215 = arith.constant 0 : i32
    %dma_wait3A_216 = arith.constant 0 : i32
    %dma_wait3A_217 = tpu.memref_slice %arg5[%add3A_205, %dma_wait3A_215, %dma_wait3A_216] : memref<16384x26x32xf32, #tpu.memory_space<hbm>> -> memref<1x26x32xf32, #tpu.memory_space<hbm>>
    %dma_wait3A_218 = tpu.memref_squeeze %dma_wait3A_217 : memref<1x26x32xf32, #tpu.memory_space<hbm>> -> memref<26x32xf32, #tpu.memory_space<hbm>>
    %dma_wait3A_219 = arith.constant 0 : i32
    %dma_wait3A_220 = arith.constant 0 : i32
    %dma_wait3A_221 = tpu.memref_slice %arg8[%dma_wait3A_206, %dma_wait3A_219, %dma_wait3A_220] : memref<4x104x32xf32, #tpu.memory_space<vmem>> -> memref<1x26x32xf32, #tpu.memory_space<vmem>>
    %dma_wait3A_222 = tpu.memref_squeeze %dma_wait3A_221 : memref<1x26x32xf32, #tpu.memory_space<vmem>> -> memref<26x32xf32, #tpu.memory_space<vmem>>
    tpu.wait_dma2 semaphore(%arg15 : memref<!tpu.dma_semaphore, #tpu.memory_space<semaphore_mem>>) src(%dma_wait3A_222 : memref<26x32xf32, #tpu.memory_space<vmem>>) dst(%dma_wait3A_218 : memref<26x32xf32, #tpu.memory_space<hbm>>)
    %add3A_223 = arith.constant 504 : i32
    %add3A_224 = arith.addi %mul3A_2, %add3A_223 : i32
    %add3A_225 = arith.constant 1 : i32
    %add3A_226 = arith.addi %add3A_224, %add3A_225 : i32
    %dma_wait3A_227 = arith.constant 2 : i32
    %dma_wait3A_228 = arith.constant 26 : i32
    %dma_wait3A_229 = arith.constant 0 : i32
    %dma_wait3A_230 = tpu.memref_slice %arg8[%dma_wait3A_227, %dma_wait3A_228, %dma_wait3A_229] : memref<4x104x32xf32, #tpu.memory_space<vmem>> -> memref<1x26x32xf32, #tpu.memory_space<vmem>>
    %dma_wait3A_231 = tpu.memref_squeeze %dma_wait3A_230 : memref<1x26x32xf32, #tpu.memory_space<vmem>> -> memref<26x32xf32, #tpu.memory_space<vmem>>
    %dma_wait3A_232 = arith.constant 0 : i32
    %dma_wait3A_233 = arith.constant 0 : i32
    %dma_wait3A_234 = tpu.memref_slice %arg5[%add3A_226, %dma_wait3A_232, %dma_wait3A_233] : memref<16384x26x32xf32, #tpu.memory_space<hbm>> -> memref<1x26x32xf32, #tpu.memory_space<hbm>>
    %dma_wait3A_235 = tpu.memref_squeeze %dma_wait3A_234 : memref<1x26x32xf32, #tpu.memory_space<hbm>> -> memref<26x32xf32, #tpu.memory_space<hbm>>
    %dma_wait3A_236 = arith.constant 0 : i32
    %dma_wait3A_237 = arith.constant 0 : i32
    %dma_wait3A_238 = tpu.memref_slice %arg5[%add3A_226, %dma_wait3A_236, %dma_wait3A_237] : memref<16384x26x32xf32, #tpu.memory_space<hbm>> -> memref<1x26x32xf32, #tpu.memory_space<hbm>>
    %dma_wait3A_239 = tpu.memref_squeeze %dma_wait3A_238 : memref<1x26x32xf32, #tpu.memory_space<hbm>> -> memref<26x32xf32, #tpu.memory_space<hbm>>
    %dma_wait3A_240 = arith.constant 26 : i32
    %dma_wait3A_241 = arith.constant 0 : i32
    %dma_wait3A_242 = tpu.memref_slice %arg8[%dma_wait3A_227, %dma_wait3A_240, %dma_wait3A_241] : memref<4x104x32xf32, #tpu.memory_space<vmem>> -> memref<1x26x32xf32, #tpu.memory_space<vmem>>
    %dma_wait3A_243 = tpu.memref_squeeze %dma_wait3A_242 : memref<1x26x32xf32, #tpu.memory_space<vmem>> -> memref<26x32xf32, #tpu.memory_space<vmem>>
    tpu.wait_dma2 semaphore(%arg15 : memref<!tpu.dma_semaphore, #tpu.memory_space<semaphore_mem>>) src(%dma_wait3A_243 : memref<26x32xf32, #tpu.memory_space<vmem>>) dst(%dma_wait3A_239 : memref<26x32xf32, #tpu.memory_space<hbm>>)
    %add3A_244 = arith.constant 504 : i32
    %add3A_245 = arith.addi %mul3A_2, %add3A_244 : i32
    %add3A_246 = arith.constant 2 : i32
    %add3A_247 = arith.addi %add3A_245, %add3A_246 : i32
    %dma_wait3A_248 = arith.constant 2 : i32
    %dma_wait3A_249 = arith.constant 52 : i32
    %dma_wait3A_250 = arith.constant 0 : i32
    %dma_wait3A_251 = tpu.memref_slice %arg8[%dma_wait3A_248, %dma_wait3A_249, %dma_wait3A_250] : memref<4x104x32xf32, #tpu.memory_space<vmem>> -> memref<1x26x32xf32, #tpu.memory_space<vmem>>
    %dma_wait3A_252 = tpu.memref_squeeze %dma_wait3A_251 : memref<1x26x32xf32, #tpu.memory_space<vmem>> -> memref<26x32xf32, #tpu.memory_space<vmem>>
    %dma_wait3A_253 = arith.constant 0 : i32
    %dma_wait3A_254 = arith.constant 0 : i32
    %dma_wait3A_255 = tpu.memref_slice %arg5[%add3A_247, %dma_wait3A_253, %dma_wait3A_254] : memref<16384x26x32xf32, #tpu.memory_space<hbm>> -> memref<1x26x32xf32, #tpu.memory_space<hbm>>
    %dma_wait3A_256 = tpu.memref_squeeze %dma_wait3A_255 : memref<1x26x32xf32, #tpu.memory_space<hbm>> -> memref<26x32xf32, #tpu.memory_space<hbm>>
    %dma_wait3A_257 = arith.constant 0 : i32
    %dma_wait3A_258 = arith.constant 0 : i32
    %dma_wait3A_259 = tpu.memref_slice %arg5[%add3A_247, %dma_wait3A_257, %dma_wait3A_258] : memref<16384x26x32xf32, #tpu.memory_space<hbm>> -> memref<1x26x32xf32, #tpu.memory_space<hbm>>
    %dma_wait3A_260 = tpu.memref_squeeze %dma_wait3A_259 : memref<1x26x32xf32, #tpu.memory_space<hbm>> -> memref<26x32xf32, #tpu.memory_space<hbm>>
    %dma_wait3A_261 = arith.constant 52 : i32
    %dma_wait3A_262 = arith.constant 0 : i32
    %dma_wait3A_263 = tpu.memref_slice %arg8[%dma_wait3A_248, %dma_wait3A_261, %dma_wait3A_262] : memref<4x104x32xf32, #tpu.memory_space<vmem>> -> memref<1x26x32xf32, #tpu.memory_space<vmem>>
    %dma_wait3A_264 = tpu.memref_squeeze %dma_wait3A_263 : memref<1x26x32xf32, #tpu.memory_space<vmem>> -> memref<26x32xf32, #tpu.memory_space<vmem>>
    tpu.wait_dma2 semaphore(%arg15 : memref<!tpu.dma_semaphore, #tpu.memory_space<semaphore_mem>>) src(%dma_wait3A_264 : memref<26x32xf32, #tpu.memory_space<vmem>>) dst(%dma_wait3A_260 : memref<26x32xf32, #tpu.memory_space<hbm>>)
    %add3A_265 = arith.constant 504 : i32
    %add3A_266 = arith.addi %mul3A_2, %add3A_265 : i32
    %add3A_267 = arith.constant 3 : i32
    %add3A_268 = arith.addi %add3A_266, %add3A_267 : i32
    %dma_wait3A_269 = arith.constant 2 : i32
    %dma_wait3A_270 = arith.constant 78 : i32
    %dma_wait3A_271 = arith.constant 0 : i32
    %dma_wait3A_272 = tpu.memref_slice %arg8[%dma_wait3A_269, %dma_wait3A_270, %dma_wait3A_271] : memref<4x104x32xf32, #tpu.memory_space<vmem>> -> memref<1x26x32xf32, #tpu.memory_space<vmem>>
    %dma_wait3A_273 = tpu.memref_squeeze %dma_wait3A_272 : memref<1x26x32xf32, #tpu.memory_space<vmem>> -> memref<26x32xf32, #tpu.memory_space<vmem>>
    %dma_wait3A_274 = arith.constant 0 : i32
    %dma_wait3A_275 = arith.constant 0 : i32
    %dma_wait3A_276 = tpu.memref_slice %arg5[%add3A_268, %dma_wait3A_274, %dma_wait3A_275] : memref<16384x26x32xf32, #tpu.memory_space<hbm>> -> memref<1x26x32xf32, #tpu.memory_space<hbm>>
    %dma_wait3A_277 = tpu.memref_squeeze %dma_wait3A_276 : memref<1x26x32xf32, #tpu.memory_space<hbm>> -> memref<26x32xf32, #tpu.memory_space<hbm>>
    %dma_wait3A_278 = arith.constant 0 : i32
    %dma_wait3A_279 = arith.constant 0 : i32
    %dma_wait3A_280 = tpu.memref_slice %arg5[%add3A_268, %dma_wait3A_278, %dma_wait3A_279] : memref<16384x26x32xf32, #tpu.memory_space<hbm>> -> memref<1x26x32xf32, #tpu.memory_space<hbm>>
    %dma_wait3A_281 = tpu.memref_squeeze %dma_wait3A_280 : memref<1x26x32xf32, #tpu.memory_space<hbm>> -> memref<26x32xf32, #tpu.memory_space<hbm>>
    %dma_wait3A_282 = arith.constant 78 : i32
    %dma_wait3A_283 = arith.constant 0 : i32
    %dma_wait3A_284 = tpu.memref_slice %arg8[%dma_wait3A_269, %dma_wait3A_282, %dma_wait3A_283] : memref<4x104x32xf32, #tpu.memory_space<vmem>> -> memref<1x26x32xf32, #tpu.memory_space<vmem>>
    %dma_wait3A_285 = tpu.memref_squeeze %dma_wait3A_284 : memref<1x26x32xf32, #tpu.memory_space<vmem>> -> memref<26x32xf32, #tpu.memory_space<vmem>>
    tpu.wait_dma2 semaphore(%arg15 : memref<!tpu.dma_semaphore, #tpu.memory_space<semaphore_mem>>) src(%dma_wait3A_285 : memref<26x32xf32, #tpu.memory_space<vmem>>) dst(%dma_wait3A_281 : memref<26x32xf32, #tpu.memory_space<hbm>>)
    %add3A_286 = arith.constant 508 : i32
    %add3A_287 = arith.addi %mul3A_2, %add3A_286 : i32
    %add3A_288 = arith.constant 0 : i32
    %add3A_289 = arith.addi %add3A_287, %add3A_288 : i32
    %dma_wait3A_290 = arith.constant 3 : i32
    %dma_wait3A_291 = arith.constant 0 : i32
    %dma_wait3A_292 = arith.constant 0 : i32
    %dma_wait3A_293 = tpu.memref_slice %arg8[%dma_wait3A_290, %dma_wait3A_291, %dma_wait3A_292] : memref<4x104x32xf32, #tpu.memory_space<vmem>> -> memref<1x26x32xf32, #tpu.memory_space<vmem>>
    %dma_wait3A_294 = tpu.memref_squeeze %dma_wait3A_293 : memref<1x26x32xf32, #tpu.memory_space<vmem>> -> memref<26x32xf32, #tpu.memory_space<vmem>>
    %dma_wait3A_295 = arith.constant 0 : i32
    %dma_wait3A_296 = arith.constant 0 : i32
    %dma_wait3A_297 = tpu.memref_slice %arg5[%add3A_289, %dma_wait3A_295, %dma_wait3A_296] : memref<16384x26x32xf32, #tpu.memory_space<hbm>> -> memref<1x26x32xf32, #tpu.memory_space<hbm>>
    %dma_wait3A_298 = tpu.memref_squeeze %dma_wait3A_297 : memref<1x26x32xf32, #tpu.memory_space<hbm>> -> memref<26x32xf32, #tpu.memory_space<hbm>>
    %dma_wait3A_299 = arith.constant 0 : i32
    %dma_wait3A_300 = arith.constant 0 : i32
    %dma_wait3A_301 = tpu.memref_slice %arg5[%add3A_289, %dma_wait3A_299, %dma_wait3A_300] : memref<16384x26x32xf32, #tpu.memory_space<hbm>> -> memref<1x26x32xf32, #tpu.memory_space<hbm>>
    %dma_wait3A_302 = tpu.memref_squeeze %dma_wait3A_301 : memref<1x26x32xf32, #tpu.memory_space<hbm>> -> memref<26x32xf32, #tpu.memory_space<hbm>>
    %dma_wait3A_303 = arith.constant 0 : i32
    %dma_wait3A_304 = arith.constant 0 : i32
    %dma_wait3A_305 = tpu.memref_slice %arg8[%dma_wait3A_290, %dma_wait3A_303, %dma_wait3A_304] : memref<4x104x32xf32, #tpu.memory_space<vmem>> -> memref<1x26x32xf32, #tpu.memory_space<vmem>>
    %dma_wait3A_306 = tpu.memref_squeeze %dma_wait3A_305 : memref<1x26x32xf32, #tpu.memory_space<vmem>> -> memref<26x32xf32, #tpu.memory_space<vmem>>
    tpu.wait_dma2 semaphore(%arg16 : memref<!tpu.dma_semaphore, #tpu.memory_space<semaphore_mem>>) src(%dma_wait3A_306 : memref<26x32xf32, #tpu.memory_space<vmem>>) dst(%dma_wait3A_302 : memref<26x32xf32, #tpu.memory_space<hbm>>)
    %add3A_307 = arith.constant 508 : i32
    %add3A_308 = arith.addi %mul3A_2, %add3A_307 : i32
    %add3A_309 = arith.constant 1 : i32
    %add3A_310 = arith.addi %add3A_308, %add3A_309 : i32
    %dma_wait3A_311 = arith.constant 3 : i32
    %dma_wait3A_312 = arith.constant 26 : i32
    %dma_wait3A_313 = arith.constant 0 : i32
    %dma_wait3A_314 = tpu.memref_slice %arg8[%dma_wait3A_311, %dma_wait3A_312, %dma_wait3A_313] : memref<4x104x32xf32, #tpu.memory_space<vmem>> -> memref<1x26x32xf32, #tpu.memory_space<vmem>>
    %dma_wait3A_315 = tpu.memref_squeeze %dma_wait3A_314 : memref<1x26x32xf32, #tpu.memory_space<vmem>> -> memref<26x32xf32, #tpu.memory_space<vmem>>
    %dma_wait3A_316 = arith.constant 0 : i32
    %dma_wait3A_317 = arith.constant 0 : i32
    %dma_wait3A_318 = tpu.memref_slice %arg5[%add3A_310, %dma_wait3A_316, %dma_wait3A_317] : memref<16384x26x32xf32, #tpu.memory_space<hbm>> -> memref<1x26x32xf32, #tpu.memory_space<hbm>>
    %dma_wait3A_319 = tpu.memref_squeeze %dma_wait3A_318 : memref<1x26x32xf32, #tpu.memory_space<hbm>> -> memref<26x32xf32, #tpu.memory_space<hbm>>
    %dma_wait3A_320 = arith.constant 0 : i32
    %dma_wait3A_321 = arith.constant 0 : i32
    %dma_wait3A_322 = tpu.memref_slice %arg5[%add3A_310, %dma_wait3A_320, %dma_wait3A_321] : memref<16384x26x32xf32, #tpu.memory_space<hbm>> -> memref<1x26x32xf32, #tpu.memory_space<hbm>>
    %dma_wait3A_323 = tpu.memref_squeeze %dma_wait3A_322 : memref<1x26x32xf32, #tpu.memory_space<hbm>> -> memref<26x32xf32, #tpu.memory_space<hbm>>
    %dma_wait3A_324 = arith.constant 26 : i32
    %dma_wait3A_325 = arith.constant 0 : i32
    %dma_wait3A_326 = tpu.memref_slice %arg8[%dma_wait3A_311, %dma_wait3A_324, %dma_wait3A_325] : memref<4x104x32xf32, #tpu.memory_space<vmem>> -> memref<1x26x32xf32, #tpu.memory_space<vmem>>
    %dma_wait3A_327 = tpu.memref_squeeze %dma_wait3A_326 : memref<1x26x32xf32, #tpu.memory_space<vmem>> -> memref<26x32xf32, #tpu.memory_space<vmem>>
    tpu.wait_dma2 semaphore(%arg16 : memref<!tpu.dma_semaphore, #tpu.memory_space<semaphore_mem>>) src(%dma_wait3A_327 : memref<26x32xf32, #tpu.memory_space<vmem>>) dst(%dma_wait3A_323 : memref<26x32xf32, #tpu.memory_space<hbm>>)
    %add3A_328 = arith.constant 508 : i32
    %add3A_329 = arith.addi %mul3A_2, %add3A_328 : i32
    %add3A_330 = arith.constant 2 : i32
    %add3A_331 = arith.addi %add3A_329, %add3A_330 : i32
    %dma_wait3A_332 = arith.constant 3 : i32
    %dma_wait3A_333 = arith.constant 52 : i32
    %dma_wait3A_334 = arith.constant 0 : i32
    %dma_wait3A_335 = tpu.memref_slice %arg8[%dma_wait3A_332, %dma_wait3A_333, %dma_wait3A_334] : memref<4x104x32xf32, #tpu.memory_space<vmem>> -> memref<1x26x32xf32, #tpu.memory_space<vmem>>
    %dma_wait3A_336 = tpu.memref_squeeze %dma_wait3A_335 : memref<1x26x32xf32, #tpu.memory_space<vmem>> -> memref<26x32xf32, #tpu.memory_space<vmem>>
    %dma_wait3A_337 = arith.constant 0 : i32
    %dma_wait3A_338 = arith.constant 0 : i32
    %dma_wait3A_339 = tpu.memref_slice %arg5[%add3A_331, %dma_wait3A_337, %dma_wait3A_338] : memref<16384x26x32xf32, #tpu.memory_space<hbm>> -> memref<1x26x32xf32, #tpu.memory_space<hbm>>
    %dma_wait3A_340 = tpu.memref_squeeze %dma_wait3A_339 : memref<1x26x32xf32, #tpu.memory_space<hbm>> -> memref<26x32xf32, #tpu.memory_space<hbm>>
    %dma_wait3A_341 = arith.constant 0 : i32
    %dma_wait3A_342 = arith.constant 0 : i32
    %dma_wait3A_343 = tpu.memref_slice %arg5[%add3A_331, %dma_wait3A_341, %dma_wait3A_342] : memref<16384x26x32xf32, #tpu.memory_space<hbm>> -> memref<1x26x32xf32, #tpu.memory_space<hbm>>
    %dma_wait3A_344 = tpu.memref_squeeze %dma_wait3A_343 : memref<1x26x32xf32, #tpu.memory_space<hbm>> -> memref<26x32xf32, #tpu.memory_space<hbm>>
    %dma_wait3A_345 = arith.constant 52 : i32
    %dma_wait3A_346 = arith.constant 0 : i32
    %dma_wait3A_347 = tpu.memref_slice %arg8[%dma_wait3A_332, %dma_wait3A_345, %dma_wait3A_346] : memref<4x104x32xf32, #tpu.memory_space<vmem>> -> memref<1x26x32xf32, #tpu.memory_space<vmem>>
    %dma_wait3A_348 = tpu.memref_squeeze %dma_wait3A_347 : memref<1x26x32xf32, #tpu.memory_space<vmem>> -> memref<26x32xf32, #tpu.memory_space<vmem>>
    tpu.wait_dma2 semaphore(%arg16 : memref<!tpu.dma_semaphore, #tpu.memory_space<semaphore_mem>>) src(%dma_wait3A_348 : memref<26x32xf32, #tpu.memory_space<vmem>>) dst(%dma_wait3A_344 : memref<26x32xf32, #tpu.memory_space<hbm>>)
    %add3A_349 = arith.constant 508 : i32
    %add3A_350 = arith.addi %mul3A_2, %add3A_349 : i32
    %add3A_351 = arith.constant 3 : i32
    %add3A_352 = arith.addi %add3A_350, %add3A_351 : i32
    %dma_wait3A_353 = arith.constant 3 : i32
    %dma_wait3A_354 = arith.constant 78 : i32
    %dma_wait3A_355 = arith.constant 0 : i32
    %dma_wait3A_356 = tpu.memref_slice %arg8[%dma_wait3A_353, %dma_wait3A_354, %dma_wait3A_355] : memref<4x104x32xf32, #tpu.memory_space<vmem>> -> memref<1x26x32xf32, #tpu.memory_space<vmem>>
    %dma_wait3A_357 = tpu.memref_squeeze %dma_wait3A_356 : memref<1x26x32xf32, #tpu.memory_space<vmem>> -> memref<26x32xf32, #tpu.memory_space<vmem>>
    %dma_wait3A_358 = arith.constant 0 : i32
    %dma_wait3A_359 = arith.constant 0 : i32
    %dma_wait3A_360 = tpu.memref_slice %arg5[%add3A_352, %dma_wait3A_358, %dma_wait3A_359] : memref<16384x26x32xf32, #tpu.memory_space<hbm>> -> memref<1x26x32xf32, #tpu.memory_space<hbm>>
    %dma_wait3A_361 = tpu.memref_squeeze %dma_wait3A_360 : memref<1x26x32xf32, #tpu.memory_space<hbm>> -> memref<26x32xf32, #tpu.memory_space<hbm>>
    %dma_wait3A_362 = arith.constant 0 : i32
    %dma_wait3A_363 = arith.constant 0 : i32
    %dma_wait3A_364 = tpu.memref_slice %arg5[%add3A_352, %dma_wait3A_362, %dma_wait3A_363] : memref<16384x26x32xf32, #tpu.memory_space<hbm>> -> memref<1x26x32xf32, #tpu.memory_space<hbm>>
    %dma_wait3A_365 = tpu.memref_squeeze %dma_wait3A_364 : memref<1x26x32xf32, #tpu.memory_space<hbm>> -> memref<26x32xf32, #tpu.memory_space<hbm>>
    %dma_wait3A_366 = arith.constant 78 : i32
    %dma_wait3A_367 = arith.constant 0 : i32
    %dma_wait3A_368 = tpu.memref_slice %arg8[%dma_wait3A_353, %dma_wait3A_366, %dma_wait3A_367] : memref<4x104x32xf32, #tpu.memory_space<vmem>> -> memref<1x26x32xf32, #tpu.memory_space<vmem>>
    %dma_wait3A_369 = tpu.memref_squeeze %dma_wait3A_368 : memref<1x26x32xf32, #tpu.memory_space<vmem>> -> memref<26x32xf32, #tpu.memory_space<vmem>>
    tpu.wait_dma2 semaphore(%arg16 : memref<!tpu.dma_semaphore, #tpu.memory_space<semaphore_mem>>) src(%dma_wait3A_369 : memref<26x32xf32, #tpu.memory_space<vmem>>) dst(%dma_wait3A_365 : memref<26x32xf32, #tpu.memory_space<hbm>>)
    return
  }
}

</mosaic_0001>

<sc_bundles>
// kernel: kernel.3.cloned.1.call-start
scs
__scs_entry_jumppad:
0x0: {  	(pc) =	sbr.rel $0x88, $3  }
0x1: {  	(tag) =	ssettag $0x0;
	lr =	simm.s32 $0x1  }
0x2: {  	[smem:$0x3F9F] =	sst lr;
	_ =	strace $0xD0000000  }
0x3: {  	_ = 	snop  }
0x4: {  	_ = 	snop  }
0x5: {  	_ = 	snop  }
0x6: {  	_ = 	snop  }
0x7: {  	_ = 	snop  }
__scs_overlays_trampoline_lowered:
0x8: {  	[smem:$0x3FAE] =	sst s0  }
0x9: {  	[smem:$0x3FAF] =	sst s1  }
0xa: {  	[smem:$0x3FB0] =	sst s2  }
0xb: {  	[smem:$0x3FB1] =	sst s3  }
0xc: {  	[smem:$0x3FB2] =	sst s4  }
0xd: {  	[smem:$0x3FB3] =	sst s5  }
0xe: {  	[smem:$0x3FB4] =	sst s6  }
0xf: {  	[smem:$0x3FB5] =	sst s7  }
0x10: {  	[smem:$0x3FB6] =	sst s8  }
0x11: {  	[smem:$0x3FB7] =	sst s9;
	s0 =	simm.s32 @!p0 $0x0  }
0x12: {  	s1 =	sld [smem:$0x3F9D];
	s0 =	simm.s32 @p0 $0x1  }
0x13: {  	[smem:$0x3FB8] =	sst s0;
	s0 =	simm.s32 @!p1 $0x0  }
0x14: {  	s2 =	sld [smem:$0x3F9C];
	s0 =	simm.s32 @p1 $0x1  }
0x15: {  	[smem:$0x3FB9] =	sst s0;
	s0 =	simm.s32 @!p2 $0x0  }
0x16: {  	s3 =	sld [smem:$0x3FDB];
	s0 =	simm.s32 @p2 $0x1  }
0x17: {  	s4 =	simm.s32 $0x1BF5;
	[smem:$0x3FBB] =	sst s0  }
0x18: {  	s0 =	sld [smem:$0x3F9E];
	_ =	swait.ge [sflag:s4], $0x0  }
0x19: {  	s7 =	sld [smem:$0x3F9F]  }
0x1a: {  	s8 =	sadd.s32 $0xFFFFE003, lr  }
0x1b: {  	s9 =	sadd.s32 $0xFFFFFEF7, lr;
	s5 =	simm.s32 $0xFFFFFFFF;
	p2 =	slt.u32 s8, $0xFFFFF086  }
0x1c: {  	p1 =	slt.u32 s9, $0xF7A;
	s5 =	simm.s32 @!p2 $0x0  }
0x1d: {  	s5 =	simm.s32 @p1 $0x1;
	p0 =	seq.s32 s7, s2  }
0x1e: {  	s7 =	smul.u32 @!p0 $0xF7A, s2;
	p2 =	seq.s32 @!p0 s5, $0x0  }
0x1f: {  	s9 =	smul.u32 $0xF7A, s1;
	s8 =	simm.s32 @!p0 $0x1BF5;
	p2 =	por !p2, p0  }
0x20: {  	[sflag:s8] =	ssyncset.s32 @!p0 $0xFFFFF086;
	s6 =	sadd.s32 @!p0 s3, s7;
	s7 =	simm.s32 @!p0 $0x108  }
0x21: {  	s3 =	sadd.s32 s3, s9;
	s6 =	sadd.s32 @!p0 $0x88, s6;
	s7 =	simm.s32 @p2 $0x1082  }
0x22: {  	[simem:s7], [sflag:s8] =	dma.local @!p0 [hbm:s6], $0xF7A  }
0x23: {  	s9 =	sor.u32 $0xD0000000, s2;
	s6 =	simm.s32 $0x108;
	_ =	swait.ge @!p0 [sflag:s8], $0x0  }
0x24: {  	s3 =	sadd.s32 $0x88, s3;
	s6 =	simm.s32 @!p1 $0x1082;
	[sflag:s4] =	ssyncset.s32 $0xFFFFF086  }
0x25: {  	[simem:s6], [sflag:s4] =	dma.local [hbm:s3], $0xF7A  }
0x26: {  	[smem:$0x3F9F] =	sst s1;
	(tag) =	ssettag s2;
	_ =	strace s9  }
0x27: {  	s1 =	sld [smem:$0x3FAF]  }
0x28: {  	s2 =	sld [smem:$0x3FB0]  }
0x29: {  	s4 =	sld [smem:$0x3FB2]  }
0x2a: {  	p0 =	seq.s32 s5, $0x0;
	s5 =	sld [smem:$0x3FB3]  }
0x2b: {  	s6 =	sld [smem:$0x3FB4]  }
0x2c: {  	s7 =	sld [smem:$0x3FB5]  }
0x2d: {  	s3 =	simm.s32 $0x108;
	s8 =	sld [smem:$0x3FB6]  }
0x2e: {  	s3 =	simm.s32 @!p0 $0x1082;
	s9 =	sld [smem:$0x3FB7]  }
0x2f: {  	lr =	sadd.s32 s0, s3;
	s0 =	sld [smem:$0x3FAE]  }
0x30: {  	s3 =	sld [smem:$0x3FB1]  }
0x31: {  	[smem:$0x3FBA] =	sst s10  }
0x32: {  	s10 =	sld [smem:$0x3FB8];
	_ =	sdelay $0x3  }
0x33: {  	p0 =	seq.s32 s10, $0x1;
	s10 =	sld [smem:$0x3FBA];
	_ =	sdelay $0x3  }
0x34: {  	[smem:$0x3FBA] =	sst s10  }
0x35: {  	s10 =	sld [smem:$0x3FB9];
	_ =	sdelay $0x3  }
0x36: {  	p1 =	seq.s32 s10, $0x1;
	s10 =	sld [smem:$0x3FBA];
	_ =	sdelay $0x3  }
0x37: {  	[smem:$0x3FBA] =	sst s10  }
0x38: {  	s10 =	sld [smem:$0x3FBB]  }
0x39: {  	_ = 	snop;
	(pc) =	sbr.ind lr, $3  }
0x3a: {  	_ = 	snop  }
0x3b: {  	_ = 	snop  }
0x3c: {  	p2 =	seq.s32 s10, $0x1;
	s10 =	sld [smem:$0x3FBA]  }
0x3d: {  	_ =	shalt  }
0x3e: {  	_ =	shalt  }
0x3f: {  	_ =	shalt  }
0x40: {  	_ =	shalt  }
0x41: {  	_ =	shalt  }
0x42: {  	_ =	shalt  }
0x43: {  	_ =	shalt  }
0x44: {  	_ =	shalt  }
0x45: {  	_ =	shalt  }
0x46: {  	_ =	shalt  }
0x47: {  	_ =	shalt  }
0x48: {  	_ =	shalt  }
0x49: {  	_ =	shalt  }
0x4a: {  	_ =	shalt  }
0x4b: {  	_ =	shalt  }
0x4c: {  	_ =	shalt  }
0x4d: {  	_ =	shalt  }
0x4e: {  	_ =	shalt  }
0x4f: {  	_ =	shalt  }
0x50: {  	_ =	shalt  }
0x51: {  	_ =	shalt  }
0x52: {  	_ =	shalt  }
0x53: {  	_ =	shalt  }
0x54: {  	_ =	shalt  }
0x55: {  	_ =	shalt  }
0x56: {  	_ =	shalt  }
0x57: {  	_ =	shalt  }
0x58: {  	_ =	shalt  }
0x59: {  	_ =	shalt  }
0x5a: {  	_ =	shalt  }
0x5b: {  	_ =	shalt  }
0x5c: {  	_ =	shalt  }
0x5d: {  	_ =	shalt  }
0x5e: {  	_ =	shalt  }
0x5f: {  	_ =	shalt  }
0x60: {  	_ =	shalt  }
0x61: {  	_ =	shalt  }
0x62: {  	_ =	shalt  }
0x63: {  	_ =	shalt  }
0x64: {  	_ =	shalt  }
0x65: {  	_ =	shalt  }
0x66: {  	_ =	shalt  }
0x67: {  	_ =	shalt  }
0x68: {  	_ =	shalt  }
0x69: {  	_ =	shalt  }
0x6a: {  	_ =	shalt  }
0x6b: {  	_ =	shalt  }
0x6c: {  	_ =	shalt  }
0x6d: {  	_ =	shalt  }
0x6e: {  	_ =	shalt  }
0x6f: {  	_ =	shalt  }
0x70: {  	_ =	shalt  }
0x71: {  	_ =	shalt  }
0x72: {  	_ =	shalt  }
0x73: {  	_ =	shalt  }
0x74: {  	_ =	shalt  }
0x75: {  	_ =	shalt  }
0x76: {  	_ =	shalt  }
0x77: {  	_ =	shalt  }
0x78: {  	_ =	shalt  }
0x79: {  	_ =	shalt  }
0x7a: {  	_ =	shalt  }
0x7b: {  	_ =	shalt  }
0x7c: {  	_ =	shalt  }
0x7d: {  	_ =	shalt  }
0x7e: {  	_ =	shalt  }
0x7f: {  	_ =	shalt  }
0x80: {  	_ =	shalt  }
0x81: {  	_ =	shalt  }
0x82: {  	_ =	shalt  }
0x83: {  	_ =	shalt  }
0x84: {  	_ =	shalt  }
0x85: {  	_ =	shalt  }
0x86: {  	_ =	shalt  }
0x87: {  	_ =	shalt  }
.Lfunc_end0:
.L_simem_size_0:
called_computation.1_lowered:
.L_overlay_start_0:
0x88: {  	s2 =	sld [smem:$0x3FD9]  }
0x89: {  	s3 =	sld [smem:$0x3FFE];
	_ =	sdelay $0x1  }
0x8a: {  	s1 =	srdreg.scid  }
0x8b: {  	s0 =	sand.u32 $0x1, s1  }
0x8c: {  	s17 =	sshll.u32 s0, $0xA;
	s2 =	sadd.s32 s3, s2  }
0x8d: {  	s2 =	sadd.s32 s2, s17  }
0x8e: {  	[smem:$0x3FC6] =	sst s2  }
0x8f: {  	_ = 	snop  }
0x90: {  	s2 =	sld [smem:$0x3FD0];
	(tm) =	ssettm $0x1  }
0x91: {  	s18 =	sld [smem:$0x3FFB];
	_ =	sdelay $0x3  }
0x92: {  	_ =	strace s18  }
0x93: {  	s3 =	sld [smem:$0x3FFC];
	_ =	sdelay $0x3  }
0x94: {  	_ =	strace s3  }
0x95: {  	s3 =	sld [smem:$0x3FFD];
	_ =	sdelay $0x3  }
0x96: {  	_ =	strace s3  }
0x97: {  	_ =	strace $0x8FFFFFFF  }
0x98: {  	s19 =	sld [smem:$0x3FDB];
	_ =	sdelay $0x1  }
0x99: {  	s4 =	simm.s32 $_scs_section_size  }
0x9a: {  	s5 =	simm.s32 $_size__tile_overlayer_lowered;
	s6 =	simm.s32 $_tile_overlayer_lowered  }
0x9b: {  	s22 =	simm.s32 $0x1BFF;
	s21 =	sshll.u32 s6, $0x1;
	s3 =	sadd.s32 s4, s19  }
0x9c: {  	s7 =	simm.s32 $0x0;
	s20 =	sshll.u32 s5, $0x1;
	s5 =	sadd.s32 s21, s3  }
0x9d: {  	[timem:s7], [sflag:s22] =	dma.local [hbm:s5], s20  }
0x9e: {  	_ =	swait.ge [sflag:s22], s20  }
0x9f: {  	s4 =	ssub.s32 $0x0, s20;
	[sflag:s22] =	ssyncset.done $0x0  }
0xa0: {  	[sflag:s22] =	ssyncadd.s32 s4;
	_ =	sdelay $0x1  }
0xa1: {  	s23 =	simm.s32 $0x1B8B  }
0xa2: {  	_ =	swait.ge [sflag:s23], $0x1  }
0xa3: {  	[sflag:s23] =	ssyncset.done $0x0  }
0xa4: {  	s25 =	simm.s32 $0x1B8E;
	s24 =	sld [smem:$0x3FFE];
	[sflag:s23] =	ssyncadd.s32 $0xFFFFFFFF  }
0xa5: {  	s26 =	simm.s32 $execute0_lowered;
	[smem:$0x3FD2] =	sst s25  }
0xa6: {  	s5 =	sshll.u32 s26, $0x1;
	_ =	strace $0x80000046;
	[dreg:$0x1] =	wrdreg $0xFFFFFFFF  }
0xa7: {  	s28 =	simm.s32 $_size_execute0_lowered;
	s3 =	sadd.s32 s3, s5;
	[dreg:$0x0] =	wrdreg $0x0  }
0xa8: {  	s5 =	sshll.u32 s28, $0x1;
	[dreg:$0x2] =	wrdreg s3  }
0xa9: {  	[dreg:$0x3] =	wrdreg s5  }
0xaa: {  	[dreg:$0x4] =	wrdreg $0xC0  }
0xab: {  	_ =	task [dreg:s7], $0x5FFFF  }
0xac: {  	[dreg:$0x1] =	wrdreg $0xFFFFFFFF  }
0xad: {  	[dreg:$0x0] =	wrdreg $0x60  }
0xae: {  	[dreg:$0x2] =	wrdreg s24  }
0xaf: {  	[dreg:$0x3] =	wrdreg s2  }
0xb0: {  	[dreg:$0x4] =	wrdreg $0x9  }
0xb1: {  	_ =	task.clear_ibuf [dreg:s7], $0x5FFFF;
	_ =	strace $0x90000046  }
0xb2: {  	s29 =	simm.s32 $0x9;
	_ =	strace $0x80000048  }
0xb3: {  	_ =	swait.ge [sflag:s29], $0x1  }
0xb4: {  	[sflag:s29] =	ssyncadd.s32 $0xFFFFFFFF  }
0xb5: {  	_ =	strace $0x90000048  }
0xb6: {  	_ =	sfence  }
0xb7: {  	s30 =	sld [smem:$0x0];
	_ =	sdelay $0x2  }
0xb8: {  	s31 =	sshll.u32 s1, $0xD;
	s1 =	sshrl.u32 s1, $0x2  }
0xb9: {  	s3 =	sand.u32 $0x4000, s31;
	s1 =	sadd.s32 s1, s30  }
0xba: {  	s0 =	sor.u32 s3, s0;
	s1 =	sshll.u32 s1, $0x11  }
0xbb: {  	s0 =	sor.u32 s1, s0  }
0xbc: {  	s0 =	sadd.s32 $0x8F2B, s0  }
0xbd: {  	[sflag:s0] =	ssyncadd.remote.s32 $0x1  }
0xbe: {  	_ =	sfence.sel $0xFFFF  }
0xbf: {  	[dreg:$0x0] =	wrdreg $0xFFFFFFFF;
	(pc) =	sbr.abs _section_cstart, $3  }
0xc0: {  	[dreg:$0x1] =	wrdreg $0xFFFFFFFF  }
0xc1: {  	_ =	task.clear_ibuf [dreg:s7], $0x2FFFF;
	_ =	strace $0x9FFFFFFF  }
0xc2: {  	(tm) =	ssettm $0x7FFFFFFF  }
0xc3: {  	_ =	shalt  }
tec
execute0_lowered:
.L_overlay_start_1:
0x0: {  	(tag) =	ssettag $0x1  }
0x1: {  	s0 =	srdreg.scid;
	s4 =	rddreg [dreg:$0x0]  }
0x2: {  	s10 =	stileid.u32;
	s5 =	rddreg [dreg:$0x1];
	s2 =	simm.s32 $0x0  }
0x3: {  	s29 =	simm.s32 $0x4FA0;
	s30 =	simm.s32 $0x2;
	s6 =	smul.u32 $0xD0000, s10  }
0x4: {  	s0 =	sand.u32 $0x1, s0;
	s1 =	sshll.u32 s10, $0x1;
	s10 =	smul.u32 $0x1A000, s10  }
0x5: {  	s31 =	simm.s32 $0x6660;
	[smem:$0x7FF] =	sst s2;
	s7 =	smul.u32 $0x68000, s0  }
0x6: {  	s1 =	sor.u32 s0, s1;
	s8 =	ssub.s32 $0x2, s0;
	s0 =	smul.u32 $0xD000, s0  }
0x7: {  	s3 =	sadd.s32 $0x27AD000, s4;
	_ =	strace $0x80000047;
	s1 =	smul.u32 $0x680, s1  }
0x8: {  	s9 =	sshrl.u32 s8, $0x1;
	s14 =	sadd.s32 s10, s5;
	s6 =	sadd.s32 s7, s6  }
0x9: {  	s8 =	ssub.s32 s8, s9;
	s10 =	sadd.s32 s0, s14;
	s1 =	sadd.s32 s1, s4  }
0xa: {  	s4 =	sadd.s32 $0xDC00, s4;
	s7 =	sor.u32 $0x16C0, s6;
	s9 =	smax.u32 s8, $0x1  }
0xb: {  	s12 =	sor.u32 $0x1380, s6;
	s13 =	sor.u32 $0x1040, s6;
	s15 =	sor.u32 $0x9C0, s6  }
0xc: {  	s18 =	sor.u32 $0x30C0, s6;
	s19 =	sor.u32 $0x2D80, s6;
	s20 =	sor.u32 $0x2A40, s6  }
0xd: {  	s23 =	sor.u32 $0x23C0, s6;
	s24 =	sor.u32 $0x2080, s6;
	[dreg:$0x3] =	wrdreg s4  }
0xe: {  	s25 =	sor.u32 $0x1D40, s6;
	s1 =	sadd.s32 $0xC00, s1;
	[dreg:$0x5] =	wrdreg s9  }
0xf: {  	s11 =	sshrl.u32 s7, $0x3;
	s4 =	sshrl.u32 s13, $0x3;
	s16 =	sshrl.u32 s15, $0x3  }
0x10: {  	s0 =	sshrl.u32 s18, $0x3;
	s21 =	sshrl.u32 s19, $0x3;
	s22 =	sshrl.u32 s20, $0x3  }
0x11: {  	s26 =	sshrl.u32 s24, $0x3;
	s28 =	sshrl.u32 s25, $0x3;
	s24 =	simm.s32 $0x1  }
0x12: {  	s20 =	simm.s32 $0x5CA0;
	s25 =	simm.s32 $0x4;
	[dreg:$0x4] =	wrdreg s1  }
0x13: {  	s7 =	sadd.s32 s11, s5;
	s1 =	sshrl.u32 s12, $0x3;
	s9 =	sadd.s32 s4, s5  }
0x14: {  	s11 =	sor.u32 $0x680, s6;
	s13 =	sadd.s32 s0, s5;
	s14 =	sadd.s32 s21, s5  }
.Ltmp0:
0x15: {  	s15 =	sadd.s32 s22, s5;
	s0 =	sshrl.u32 s23, $0x3;
	(pc) =	sbr.rel .LBB2_1-.Ltmp0, $4  }
0x16: {  	s18 =	sadd.s32 s28, s5;
	s21 =	simm.s32 $0x68;
	s23 =	simm.s32 $0x42A0  }
0x17: {  	s4 =	simm.s32 $0x3;
	s22 =	simm.s32 $0x6;
	s8 =	sadd.s32 s1, s5  }
0x18: {  	s17 =	sshrl.u32 s11, $0x3;
	s11 =	sadd.s32 s16, s5;
	s16 =	sadd.s32 s0, s5  }
0x19: {  	s12 =	sadd.s32 s17, s5;
	s17 =	sadd.s32 s26, s5;
	s5 =	simm.s32 $0x0  }
.LBB2_6:
0x1a: {  	s0 =	simm.s32 $0x5  }
0x1b: {  	_ =	swait.ge [sflag:s0], $0x340  }
0x1c: {  	[sflag:s0] =	ssyncset.done $0x0  }
0x1d: {  	[sflag:s0] =	ssyncadd.s32 $0xFFFFFCC0  }
0x1e: {  	_ =	swait.ge [sflag:s0], $0x340  }
0x1f: {  	[sflag:s0] =	ssyncset.done $0x0  }
0x20: {  	[sflag:s0] =	ssyncadd.s32 $0xFFFFFCC0  }
0x21: {  	_ =	swait.ge [sflag:s0], $0x340  }
0x22: {  	[sflag:s0] =	ssyncset.done $0x0  }
0x23: {  	[sflag:s0] =	ssyncadd.s32 $0xFFFFFCC0  }
0x24: {  	_ =	swait.ge [sflag:s0], $0x340  }
0x25: {  	[sflag:s0] =	ssyncset.done $0x0  }
0x26: {  	[sflag:s0] =	ssyncadd.s32 $0xFFFFFCC0  }
0x27: {  	_ =	swait.ge [sflag:s22], $0x340  }
0x28: {  	[sflag:s22] =	ssyncset.done $0x0  }
0x29: {  	[sflag:s22] =	ssyncadd.s32 $0xFFFFFCC0  }
0x2a: {  	_ =	swait.ge [sflag:s22], $0x340  }
0x2b: {  	[sflag:s22] =	ssyncset.done $0x0  }
0x2c: {  	[sflag:s22] =	ssyncadd.s32 $0xFFFFFCC0  }
0x2d: {  	_ =	swait.ge [sflag:s22], $0x340  }
0x2e: {  	[sflag:s22] =	ssyncset.done $0x0  }
0x2f: {  	[sflag:s22] =	ssyncadd.s32 $0xFFFFFCC0  }
0x30: {  	_ =	swait.ge [sflag:s22], $0x340  }
0x31: {  	[sflag:s22] =	ssyncset.done $0x0  }
0x32: {  	s26 =	simm.s32 $0x7;
	[sflag:s22] =	ssyncadd.s32 $0xFFFFFCC0  }
0x33: {  	_ =	swait.ge [sflag:s26], $0x340  }
0x34: {  	[sflag:s26] =	ssyncset.done $0x0  }
0x35: {  	[sflag:s26] =	ssyncadd.s32 $0xFFFFFCC0  }
0x36: {  	_ =	swait.ge [sflag:s26], $0x340  }
0x37: {  	[sflag:s26] =	ssyncset.done $0x0  }
0x38: {  	[sflag:s26] =	ssyncadd.s32 $0xFFFFFCC0  }
0x39: {  	_ =	swait.ge [sflag:s26], $0x340  }
0x3a: {  	[sflag:s26] =	ssyncset.done $0x0  }
0x3b: {  	[sflag:s26] =	ssyncadd.s32 $0xFFFFFCC0  }
0x3c: {  	_ =	swait.ge [sflag:s26], $0x340  }
0x3d: {  	[sflag:s26] =	ssyncset.done $0x0  }
0x3e: {  	s1 =	simm.s32 $0x8;
	[sflag:s26] =	ssyncadd.s32 $0xFFFFFCC0  }
0x3f: {  	_ =	swait.ge [sflag:s1], $0x340  }
0x40: {  	[sflag:s1] =	ssyncset.done $0x0  }
0x41: {  	[sflag:s1] =	ssyncadd.s32 $0xFFFFFCC0  }
0x42: {  	_ =	swait.ge [sflag:s1], $0x340  }
0x43: {  	[sflag:s1] =	ssyncset.done $0x0  }
0x44: {  	[sflag:s1] =	ssyncadd.s32 $0xFFFFFCC0  }
0x45: {  	_ =	swait.ge [sflag:s1], $0x340  }
0x46: {  	[sflag:s1] =	ssyncset.done $0x0  }
0x47: {  	[sflag:s1] =	ssyncadd.s32 $0xFFFFFCC0  }
0x48: {  	_ =	swait.ge [sflag:s1], $0x340  }
0x49: {  	s5 =	rddreg [dreg:$0x6]  }
0x4a: {  	s28 =	rddreg [dreg:$0x5];
	s5 =	sadd.s32 $0x1, s5  }
0x4b: {  	p0 =	sne.s32 s5, s28  }
.Ltmp1:
0x4c: {  	_ = 	snop;
	(pc) =	sbr.rel @!p0 .LBB2_7-.Ltmp1, $3  }
0x4d: {  	_ =	sdelay $0x1  }
0x4e: {  	[sflag:s1] =	ssyncset.done $0x0  }
0x4f: {  	[sflag:s1] =	ssyncadd.s32 $0xFFFFFCC0  }
.LBB2_1:
0x50: {  	[dreg:$0x6] =	wrdreg s5  }
0x51: {  	s0 =	rddreg [dreg:$0x4];
	s26 =	smul.u32 $0x4EC5, s2;
	s28 =	simm.s32 $0x9  }
0x52: {  	[tilespmem:s2], [sflag:$0x9] =	stream.linear.gather [hbm4b:s0+s2], $0x3400, $0x38;
	[tilespmem:$0x69A0] =	vst v63  }
0x53: {  	_ =	swait.ge [sflag:s28], $0x3400  }
0x54: {  	s6 =	simm.s32 $0x3400;
	s0 =	sshrl.u32 s26, $0x13;
	[sflag:s28] =	ssyncset.done $0x0  }
0x55: {  	s0 =	smul.u32 $0x1A, s0;
	s1 =	rddreg [dreg:$0x3];
	[sflag:s28] =	ssyncadd.s32 $0xFFFFCC00  }
0x56: {  	[tilespmem:s6], [sflag:$0x9] =	stream.linear.gather [hbm4b:s1+s2], $0x1A0, $0x38;
	[tilespmem:$0x69A0] =	vst v63  }
0x57: {  	s0 =	ssub.s32 $0x0, s0;
	_ =	swait.ge [sflag:s28], $0x1A0  }
0x58: {  	s0 =	sand.u32 $0xFCBF, s0;
	[sflag:s28] =	ssyncset.done $0x0  }
0x59: {  	s1 =	simm.s32 $0x1;
	s0 =	sshll.u32 s0, $0x4;
	[sflag:s28] =	ssyncadd.s32 $0xFFFFFE60  }
0x5a: {  	s6 =	smul.u32 $0x4EC5, s1;
	v0 =	vld [tilespmem:s0+$0x3400]  }
0x5b: {  	s5 =	simm.s32 $0x2;
	v1 =	vld [tilespmem:s2+$0x0];
	s0 =	simm.s32 $0x0  }
.LBB2_2:
0x5c: {  	p0 =	sne.s32 s5, $0x33F;
	s6 =	sshrl.u32 s6, $0x13  }
0x5d: {  	s6 =	smul.u32 $0x1A, s6;
	_ =	sdelay $0x1  }
.Ltmp2:
0x5e: {  	s6 =	ssub.s32 s1, s6;
	s1 =	smov.u32 s5;
	(pc) =	sbr.rel @p0 .LBB2_2-.Ltmp2, $4  }
0x5f: {  	s6 =	sand.u32 $0xFCBF, s6;
	v0 =	vadd.s32 v1, v0  }
0x60: {  	s19 =	sshll.u32 s6, $0x4;
	[tilespmem:s0+$0x0] =	vst v0  }
0x61: {  	s6 =	smul.u32 $0x4EC5, s5;
	s0 =	sadd.s32 $0x10, s0;
	v0 =	vld [tilespmem:s19+$0x3400]  }
0x62: {  	s5 =	sadd.s32 $0x1, s5;
	v1 =	vld [tilespmem:s0+$0x0]  }
0x63: {  	s5 =	sshrl.u32 s6, $0x13  }
0x64: {  	s5 =	smul.u32 $0x1A, s5;
	_ =	sdelay $0x1  }
0x65: {  	s1 =	ssub.s32 s1, s5  }
0x66: {  	s1 =	sand.u32 $0xFCBF, s1;
	v0 =	vadd.s32 v1, v0  }
0x67: {  	s1 =	sshll.u32 s1, $0x4;
	[tilespmem:s0+$0x0] =	vst v0  }
0x68: {  	s26 =	sadd.s32 $0x10, s0;
	v0 =	vld [tilespmem:s1+$0x3400]  }
0x69: {  	v63 =	vld [tilespmem:s26+$0x0];
	_ =	sdelay $0x4  }
0x6a: {  	v0 =	vadd.s32 v63, v0  }
0x6b: {  	s28 =	simm.s32 $0x35A0;
	s1 =	simm.s32 $0x0;
	[tilespmem:s26+$0x0] =	vst v0  }
0x6c: {  	[tilespmem:s28], [sflag:$0x1] =	stream.indirect.gather [hbm4b:s3+s21], $0x20, s1, s21, $0xb8;
	[tilespmem:$0x69A0] =	vst v63  }
0x6d: {  	s0 =	simm.s32 $0xFFFFFFFC  }
0x6e: {  	[tilespmem:s23], [sflag:$0x2] =	stream.indirect.gather [hbm4b:s3+s21], $0x20, s21, s21, $0xb8;
	[tilespmem:$0x69A0] =	vst v63  }
.LBB2_4:
0x6f: {  	_ =	swait.ge [sflag:s24], $0xD00  }
0x70: {  	[sflag:s24] =	ssyncset.done $0x0  }
0x71: {  	s6 =	sadd.s32 s1, s10;
	s5 =	simm.s32 $0x35A0;
	[sflag:s24] =	ssyncadd.s32 $0xFFFFF300  }
0x72: {  	[hbm4b:s6+s2] =	stream.linear.scatter [tilespmem:s5], [sflag:$0x5], $0x340, $0x38;
	[tilespmem:$0x69A0] =	vst v63  }
0x73: {  	s19 =	simm.s32 $0x38E0;
	s28 =	sadd.s32 $0x68, s6  }
0x74: {  	[hbm4b:s28+s2] =	stream.linear.scatter [tilespmem:s19], [sflag:$0x5], $0x340, $0x38;
	[tilespmem:$0x69A0] =	vst v63  }
0x75: {  	s26 =	sadd.s32 s1, s12;
	s28 =	simm.s32 $0x3C20  }
0x76: {  	[hbm4b:s26+s2] =	stream.linear.scatter [tilespmem:s28], [sflag:$0x5], $0x340, $0x38;
	[tilespmem:$0x69A0] =	vst v63  }
0x77: {  	p0 =	sgt.u32 s0, $0x7B;
	s19 =	sadd.s32 s1, s11;
	s26 =	simm.s32 $0x3F60  }
0x78: {  	[hbm4b:s19+s2] =	stream.linear.scatter [tilespmem:s26], [sflag:$0x5], $0x340, $0x38;
	[tilespmem:$0x69A0] =	vst v63  }
0x79: {  	s19 =	simm.s32 @!p0 $0x7  }
0x7a: {  	_ =	swait.ge @!p0 [sflag:s19], $0x340  }
0x7b: {  	[sflag:s19] =	ssyncset.done @!p0 $0x0  }
0x7c: {  	[sflag:s19] =	ssyncadd.s32 @!p0 $0xFFFFFCC0  }
0x7d: {  	_ =	swait.ge @!p0 [sflag:s19], $0x340  }
0x7e: {  	[sflag:s19] =	ssyncset.done @!p0 $0x0  }
0x7f: {  	[sflag:s19] =	ssyncadd.s32 @!p0 $0xFFFFFCC0  }
0x80: {  	_ =	swait.ge @!p0 [sflag:s19], $0x340  }
0x81: {  	[sflag:s19] =	ssyncset.done @!p0 $0x0  }
0x82: {  	[sflag:s19] =	ssyncadd.s32 @!p0 $0xFFFFFCC0  }
0x83: {  	_ =	swait.ge @!p0 [sflag:s19], $0x340  }
0x84: {  	s5 =	sshra.s32 s1, $0x2;
	[sflag:s19] =	ssyncset.done @!p0 $0x0  }
0x85: {  	s28 =	sadd.s32 $0xD0, s5;
	[sflag:s19] =	ssyncadd.s32 @!p0 $0xFFFFFCC0  }
0x86: {  	[tilespmem:s29], [sflag:$0x3] =	stream.indirect.gather [hbm4b:s3+s21], $0x20, s28, s21, $0xb8;
	[tilespmem:$0x69A0] =	vst v63  }
0x87: {  	_ =	swait.ge [sflag:s30], $0xD00  }
0x88: {  	[sflag:s30] =	ssyncset.done $0x0  }
0x89: {  	s26 =	sadd.s32 $0x1A0, s6;
	[sflag:s30] =	ssyncadd.s32 $0xFFFFF300  }
0x8a: {  	[hbm4b:s26+s2] =	stream.linear.scatter [tilespmem:s23], [sflag:$0x6], $0x340, $0x38;
	[tilespmem:$0x69A0] =	vst v63  }
0x8b: {  	s28 =	sadd.s32 s1, s9;
	s26 =	simm.s32 $0x45E0  }
0x8c: {  	[hbm4b:s28+s2] =	stream.linear.scatter [tilespmem:s26], [sflag:$0x6], $0x340, $0x38;
	[tilespmem:$0x69A0] =	vst v63  }
0x8d: {  	p0 =	seq.s32 s1, $0x0;
	s26 =	sadd.s32 s1, s8;
	s28 =	simm.s32 $0x4920  }
0x8e: {  	[hbm4b:s26+s2] =	stream.linear.scatter [tilespmem:s28], [sflag:$0x6], $0x340, $0x38;
	[tilespmem:$0x69A0] =	vst v63  }
0x8f: {  	s19 =	simm.s32 @!p0 $0x8;
	s26 =	sadd.s32 s1, s7;
	s28 =	simm.s32 $0x4C60  }
0x90: {  	[hbm4b:s26+s2] =	stream.linear.scatter [tilespmem:s28], [sflag:$0x6], $0x340, $0x38;
	[tilespmem:$0x69A0] =	vst v63  }
0x91: {  	_ =	swait.ge @!p0 [sflag:s19], $0x340  }
0x92: {  	[sflag:s19] =	ssyncset.done @!p0 $0x0  }
0x93: {  	[sflag:s19] =	ssyncadd.s32 @!p0 $0xFFFFFCC0  }
0x94: {  	_ =	swait.ge @!p0 [sflag:s19], $0x340  }
0x95: {  	[sflag:s19] =	ssyncset.done @!p0 $0x0  }
0x96: {  	[sflag:s19] =	ssyncadd.s32 @!p0 $0xFFFFFCC0  }
0x97: {  	_ =	swait.ge @!p0 [sflag:s19], $0x340  }
0x98: {  	[sflag:s19] =	ssyncset.done @!p0 $0x0  }
0x99: {  	[sflag:s19] =	ssyncadd.s32 @!p0 $0xFFFFFCC0  }
0x9a: {  	_ =	swait.ge @!p0 [sflag:s19], $0x340  }
0x9b: {  	[sflag:s19] =	ssyncset.done @!p0 $0x0  }
0x9c: {  	s26 =	sadd.s32 $0x138, s5;
	[sflag:s19] =	ssyncadd.s32 @!p0 $0xFFFFFCC0  }
0x9d: {  	[tilespmem:s20], [sflag:$0x4] =	stream.indirect.gather [hbm4b:s3+s21], $0x20, s26, s21, $0xb8;
	[tilespmem:$0x69A0] =	vst v63  }
0x9e: {  	_ =	swait.ge [sflag:s4], $0xD00  }
0x9f: {  	[sflag:s4] =	ssyncset.done $0x0  }
0xa0: {  	s28 =	sadd.s32 $0x340, s6;
	[sflag:s4] =	ssyncadd.s32 $0xFFFFF300  }
0xa1: {  	[hbm4b:s28+s2] =	stream.linear.scatter [tilespmem:s29], [sflag:$0x7], $0x340, $0x38;
	[tilespmem:$0x69A0] =	vst v63  }
0xa2: {  	s26 =	sadd.s32 s1, s18;
	s28 =	simm.s32 $0x52E0  }
0xa3: {  	[hbm4b:s26+s2] =	stream.linear.scatter [tilespmem:s28], [sflag:$0x7], $0x340, $0x38;
	[tilespmem:$0x69A0] =	vst v63  }
0xa4: {  	p0 =	seq.s32 s1, $0xC980;
	s26 =	sadd.s32 s1, s17;
	s28 =	simm.s32 $0x5620  }
0xa5: {  	[hbm4b:s26+s2] =	stream.linear.scatter [tilespmem:s28], [sflag:$0x7], $0x340, $0x38;
	[tilespmem:$0x69A0] =	vst v63  }
0xa6: {  	s19 =	simm.s32 @!p0 $0x5;
	s26 =	sadd.s32 s1, s16;
	s28 =	simm.s32 $0x5960  }
0xa7: {  	[hbm4b:s26+s2] =	stream.linear.scatter [tilespmem:s28], [sflag:$0x7], $0x340, $0x38;
	[tilespmem:$0x69A0] =	vst v63  }
0xa8: {  	_ =	swait.ge @!p0 [sflag:s19], $0x340  }
0xa9: {  	[sflag:s19] =	ssyncset.done @!p0 $0x0  }
0xaa: {  	[sflag:s19] =	ssyncadd.s32 @!p0 $0xFFFFFCC0  }
0xab: {  	_ =	swait.ge @!p0 [sflag:s19], $0x340  }
0xac: {  	[sflag:s19] =	ssyncset.done @!p0 $0x0  }
0xad: {  	[sflag:s19] =	ssyncadd.s32 @!p0 $0xFFFFFCC0  }
0xae: {  	_ =	swait.ge @!p0 [sflag:s19], $0x340  }
0xaf: {  	[sflag:s19] =	ssyncset.done @!p0 $0x0  }
0xb0: {  	[sflag:s19] =	ssyncadd.s32 @!p0 $0xFFFFFCC0  }
0xb1: {  	_ =	swait.ge @!p0 [sflag:s19], $0x340  }
0xb2: {  	[sflag:s19] =	ssyncset.done @!p0 $0x0  }
0xb3: {  	[sflag:s19] =	ssyncadd.s32 @!p0 $0xFFFFFCC0;
	s19 =	sshra.s32 @!p0 s1, $0x2  }
0xb4: {  	s26 =	simm.s32 @!p0 $0x68;
	s28 =	simm.s32 @!p0 $0x35A0;
	s19 =	sadd.s32 @!p0 $0x1A0, s19  }
0xb5: {  	[tilespmem:s28], [sflag:$0x1] =	stream.indirect.gather @!p0 [hbm4b:s3+s26], $0x20, s19, s26, $0xb8;
	[tilespmem:$0x69A0] =	vst v63  }
0xb6: {  	_ =	swait.ge [sflag:s25], $0xD00  }
0xb7: {  	[sflag:s25] =	ssyncset.done $0x0  }
0xb8: {  	s6 =	sadd.s32 $0x4E0, s6;
	[sflag:s25] =	ssyncadd.s32 $0xFFFFF300  }
0xb9: {  	[hbm4b:s6+s2] =	stream.linear.scatter [tilespmem:s20], [sflag:$0x8], $0x340, $0x38;
	[tilespmem:$0x69A0] =	vst v63  }
0xba: {  	s26 =	sadd.s32 s1, s15;
	s28 =	simm.s32 $0x5FE0  }
0xbb: {  	[hbm4b:s26+s2] =	stream.linear.scatter [tilespmem:s28], [sflag:$0x8], $0x340, $0x38;
	[tilespmem:$0x69A0] =	vst v63  }
.Ltmp3:
0xbc: {  	_ = 	snop;
	(pc) =	sbr.rel @p0 .LBB2_6-.Ltmp3, $4  }
0xbd: {  	s19 =	sadd.s32 s1, s14;
	s26 =	simm.s32 $0x6320  }
0xbe: {  	[hbm4b:s19+s2] =	stream.linear.scatter [tilespmem:s26], [sflag:$0x8], $0x340, $0x38;
	[tilespmem:$0x69A0] =	vst v63  }
0xbf: {  	s28 =	sadd.s32 s1, s13  }
0xc0: {  	[hbm4b:s28+s2] =	stream.linear.scatter [tilespmem:s31], [sflag:$0x8], $0x340, $0x38;
	[tilespmem:$0x69A0] =	vst v63  }
0xc1: {  	_ =	swait.ge [sflag:s22], $0x340  }
0xc2: {  	[sflag:s22] =	ssyncset.done $0x0  }
0xc3: {  	[sflag:s22] =	ssyncadd.s32 $0xFFFFFCC0  }
0xc4: {  	_ =	swait.ge [sflag:s22], $0x340  }
0xc5: {  	[sflag:s22] =	ssyncset.done $0x0  }
0xc6: {  	[sflag:s22] =	ssyncadd.s32 $0xFFFFFCC0  }
0xc7: {  	_ =	swait.ge [sflag:s22], $0x340  }
0xc8: {  	[sflag:s22] =	ssyncset.done $0x0  }
.Ltmp4:
0xc9: {  	[sflag:s22] =	ssyncadd.s32 $0xFFFFFCC0;
	(pc) =	sbr.rel .LBB2_4-.Ltmp4, $4  }
0xca: {  	_ =	swait.ge [sflag:s22], $0x340  }
0xcb: {  	s5 =	sadd.s32 $0x208, s5;
	[sflag:s22] =	ssyncset.done $0x0  }
0xcc: {  	s1 =	sadd.s32 $0x680, s1;
	s0 =	sadd.s32 $0x4, s0;
	[sflag:s22] =	ssyncadd.s32 $0xFFFFFCC0  }
0xcd: {  	[tilespmem:s23], [sflag:$0x2] =	stream.indirect.gather [hbm4b:s3+s21], $0x20, s5, s21, $0xb8;
	[tilespmem:$0x69A0] =	vst v63  }
.LBB2_7:
0xce: {  	_ =	sfence.sel $0x180000  }
0xcf: {  	[bflag:$0x0] =	sbarrier.arrive $0xFFFF  }
0xd0: {  	_ =	strace $0x90000047  }
0xd1: {  	s0 =	stileid.u32;
	[bflag:$0x2] =	sbarrier.arrive $0xFFFF  }
0xd2: {  	p0 =	sne.s32 s0, $0x0;
	s0 =	rddreg [dreg:$0x2]  }
0xd3: {  	s0 =	sadd.s32 @!p0 $0x100000, s0  }
0xd4: {  	[sflag:s0] =	ssyncadd.tile.s32 @!p0 $0x1;
	_ =	shalt  }
.Lfunc_end2:
_tile_overlayer_lowered:
.L_overlay_start_2:
0xd5: {  	(tag) =	ssettag $0x2  }
0xd6: {  	s0 =	rddreg [dreg:$0x0];
	s2 =	stileid.u32  }
0xd7: {  	s1 =	rddreg [dreg:$0x1];
	p0 =	sne.s32 s2, $0x0  }
0xd8: {  	s3 =	rddreg [dreg:$0x2];
	[bflag:$0x3] =	sbarrier.arrive $0xFFFF;
	s2 =	simm.s32 @!p0 $0x1C09  }
0xd9: {  	[timem:s3], [sflag:s2] =	dma.local @!p0 [hbm:s0], s1  }
0xda: {  	s0 =	simm.s32 @!p0 $0x9  }
0xdb: {  	_ =	swait.ge @!p0 [sflag:s0], s1  }
0xdc: {  	s1 =	ssub.s32 @!p0 $0x0, s1;
	[sflag:s0] =	ssyncset.done @!p0 $0x0  }
0xdd: {  	[sflag:s0] =	ssyncadd.s32 @!p0 s1  }
0xde: {  	[bflag:$0x3] =	sbarrier.arrive $0xFFFF  }
0xdf: {  	_ =	shalt  }

// kernel: sparse-core-data-format-call.cloned.1.call-start
scs
called_computation_lowered:
.L_overlay_start_0:
0x0: {  	s2 =	sld [smem:$0x3FD9]  }
0x1: {  	s3 =	sld [smem:$0x3FFE];
	_ =	sdelay $0x1  }
0x2: {  	s1 =	srdreg.scid  }
0x3: {  	s0 =	sand.u32 $0x1, s1  }
0x4: {  	s18 =	sshll.u32 s0, $0xA;
	s2 =	sadd.s32 s3, s2  }
0x5: {  	s2 =	sadd.s32 s2, s18  }
0x6: {  	[smem:$0x3FC6] =	sst s2  }
0x7: {  	_ = 	snop  }
0x8: {  	s2 =	sld [smem:$0x3FD0];
	(tm) =	ssettm $0x1  }
0x9: {  	s19 =	sld [smem:$0x3FFB];
	_ =	sdelay $0x3  }
0xa: {  	_ =	strace s19  }
0xb: {  	s3 =	sld [smem:$0x3FFC];
	_ =	sdelay $0x3  }
0xc: {  	_ =	strace s3  }
0xd: {  	s3 =	sld [smem:$0x3FFD];
	_ =	sdelay $0x3  }
0xe: {  	_ =	strace s3  }
0xf: {  	_ =	strace $0x8FFFFFFF  }
0x10: {  	s20 =	sld [smem:$0x3FDB];
	_ =	sdelay $0x1  }
0x11: {  	s4 =	simm.s32 $_scs_section_size  }
0x12: {  	s5 =	simm.s32 $_size__tile_overlayer_lowered;
	s6 =	simm.s32 $_tile_overlayer_lowered  }
0x13: {  	s23 =	simm.s32 $0x1BFF;
	s22 =	sshll.u32 s6, $0x1;
	s3 =	sadd.s32 s4, s20  }
0x14: {  	s7 =	simm.s32 $0x0;
	s21 =	sshll.u32 s5, $0x1;
	s5 =	sadd.s32 s22, s3  }
0x15: {  	[timem:s7], [sflag:s23] =	dma.local [hbm:s5], s21  }
0x16: {  	_ =	swait.ge [sflag:s23], s21  }
0x17: {  	s4 =	ssub.s32 $0x0, s21;
	[sflag:s23] =	ssyncset.done $0x0  }
0x18: {  	[sflag:s23] =	ssyncadd.s32 s4;
	_ =	sdelay $0x1  }
0x19: {  	s24 =	simm.s32 $0x1B8B  }
0x1a: {  	_ =	swait.ge [sflag:s24], $0x1  }
0x1b: {  	[sflag:s24] =	ssyncset.done $0x0  }
0x1c: {  	s26 =	simm.s32 $0x1B8E;
	s25 =	sld [smem:$0x3FFE];
	[sflag:s24] =	ssyncadd.s32 $0xFFFFFFFF  }
0x1d: {  	s27 =	simm.s32 $execute0_lowered;
	[smem:$0x3FD2] =	sst s26  }
0x1e: {  	s5 =	sshll.u32 s27, $0x1;
	_ =	strace $0x80000049;
	[dreg:$0x1] =	wrdreg $0xFFFFFFFF  }
0x1f: {  	s28 =	simm.s32 $_size_execute0_lowered;
	s3 =	sadd.s32 s3, s5;
	[dreg:$0x0] =	wrdreg $0x0  }
0x20: {  	s5 =	sshll.u32 s28, $0x1;
	[dreg:$0x2] =	wrdreg s3  }
0x21: {  	[dreg:$0x3] =	wrdreg s5  }
0x22: {  	[dreg:$0x4] =	wrdreg $0xC0  }
0x23: {  	_ =	task [dreg:s7], $0x5FFFF  }
0x24: {  	[dreg:$0x1] =	wrdreg $0xFFFFFFFF  }
0x25: {  	[dreg:$0x0] =	wrdreg $0x60  }
0x26: {  	[dreg:$0x2] =	wrdreg s25  }
0x27: {  	[dreg:$0x3] =	wrdreg s2  }
0x28: {  	[dreg:$0x4] =	wrdreg $0x9  }
0x29: {  	_ =	task.clear_ibuf [dreg:s7], $0x5FFFF;
	_ =	strace $0x90000049  }
0x2a: {  	s29 =	simm.s32 $0x9;
	_ =	strace $0x8000004B  }
0x2b: {  	_ =	swait.ge [sflag:s29], $0x1  }
0x2c: {  	[sflag:s29] =	ssyncadd.s32 $0xFFFFFFFF  }
0x2d: {  	_ =	strace $0x9000004B  }
0x2e: {  	_ =	sfence  }
0x2f: {  	s30 =	sld [smem:$0x0];
	_ =	sdelay $0x2  }
0x30: {  	s31 =	sshll.u32 s1, $0xD;
	s1 =	sshrl.u32 s1, $0x2  }
0x31: {  	s3 =	sand.u32 $0x4000, s31;
	s1 =	sadd.s32 s1, s30  }
0x32: {  	s0 =	sor.u32 s3, s0;
	s1 =	sshll.u32 s1, $0x11  }
0x33: {  	s0 =	sor.u32 s1, s0  }
0x34: {  	s0 =	sadd.s32 $0x8F2B, s0  }
0x35: {  	[sflag:s0] =	ssyncadd.remote.s32 $0x1  }
0x36: {  	_ =	sfence.sel $0xFFFF  }
0x37: {  	[dreg:$0x0] =	wrdreg $0xFFFFFFFF;
	(pc) =	sbr.abs _section_cstart, $3  }
0x38: {  	[dreg:$0x1] =	wrdreg $0xFFFFFFFF  }
0x39: {  	_ =	task.clear_ibuf [dreg:s7], $0x2FFFF;
	_ =	strace $0x9FFFFFFF  }
0x3a: {  	(tm) =	ssettm $0x7FFFFFFF  }
0x3b: {  	_ =	shalt  }
tec
execute0_lowered:
.L_overlay_start_1:
0x0: {  	(tag) =	ssettag $0x1  }
0x1: {  	s0 =	srdreg.scid  }
0x2: {  	s1 =	sshll.u32 s0, $0x4  }
0x3: {  	s0 =	stileid.u32;
	s1 =	sand.u32 $0x10, s1  }
0x4: {  	s1 =	sor.u32 s0, s1  }
0x5: {  	s6 =	rddreg [dreg:$0x0];
	s4 =	simm.s32 $0x1;
	s2 =	sshll.u32 s1, $0x7  }
0x6: {  	s7 =	simm.s32 $0x2;
	s12 =	simm.s32 $0x0;
	s1 =	ssub.s32 $0x4000, s2  }
0x7: {  	s8 =	simm.s32 $0x20000;
	s13 =	simm.s32 $0x0;
	s3 =	sand.u32 $0xF80, s1  }
0x8: {  	s9 =	simm.s32 $0x0;
	s5 =	sshrl.u32 s1, $0xC;
	p0 =	sne.s32 s3, $0x0  }
.Ltmp0:
0x9: {  	s1 =	rddreg [dreg:$0x2];
	s4 =	simm.s32 @!p0 $0x0;
	(pc) =	sbr.rel .LBB1_1-.Ltmp0, $4  }
0xa: {  	s11 =	simm.s32 $0x0;
	s3 =	rddreg [dreg:$0x1];
	s5 =	sadd.s32 s4, s5  }
0xb: {  	_ =	strace $0x8000004A;
	s4 =	simm.s32 $0x1;
	s5 =	smul.u32 $0x1A, s5  }
0xc: {  	s6 =	sadd.s32 $0xC00, s6;
	s10 =	smov.u32 s2;
	[sflag:s4] =	ssyncpa.u1 $0x0  }
0xd: {  	p0 =	por $0x0, $0x0;
	[sflag:s7] =	ssyncpa.u1 $0x0;
	s7 =	sor.u32 $0x1, s5  }
.LBB1_4:
0xe: {  	s16 =	sshll.u32 s13, $0x3;
	s17 =	sand.u32 $0x78, s13  }
0xf: {  	s30 =	sand.u32 $0xF800, s13;
	s12 =	sshll.u32 s12, $0x10;
	s16 =	sand.u32 $0x3C00, s16  }
0x10: {  	s31 =	sand.u32 $0x7, s13;
	s16 =	sor.u32 s17, s16;
	s17 =	sadd.s32 s3, s30  }
0x11: {  	s13 =	sshll.u32 s31, $0x12;
	s16 =	sshrl.u32 s16, $0x3;
	s12 =	sadd.s32 s12, s17  }
0x12: {  	[tilespmem:s15+$0x0 ss:$0x81] =	vst.msk $0xffff, v0;
	s13 =	sor.u32 $0x400, s13;
	s12 =	sadd.s32 s16, s12  }
0x13: {  	[hbm4b:s12+s13] =	stream.strided.scatter [tilespmem:s14], [sflag:$0x2], $0x1000, s8, s13, $0x20;
	[tilespmem:$0x4040] =	vst v63  }
.LBB1_5:
0x14: {  	s14 =	sadd.s32 $0x1, s9  }
0x15: {  	s12 =	sadd.s32 $0x1000, s10;
	s16 =	smov.u32 s10;
	p2 =	sgt.s32 s14, $0x19  }
0x16: {  	s16 =	smov.u32 @p2 s12  }
0x17: {  	s14 =	simm.s32 @p2 $0x0;
	p2 =	sgt.s32 s16, $0x3FFF  }
0x18: {  	s16 =	smov.u32 @p2 s2;
	p2 =	sne.s32 s11, s7  }
.Ltmp1:
0x19: {  	p1 =	slt.u32 s11, $0x2;
	(pc) =	sbr.rel @!p2 .LBB1_6-.Ltmp1, $4  }
0x1a: {  	s15 =	simm.s32 @!p1 $0x2  }
0x1b: {  	s13 =	smov.u32 s10;
	p0 =	por !p0, !p0;
	_ =	swait.ge @!p1 [sflag:s15], $0x1000  }
0x1c: {  	s12 =	smov.u32 s9;
	[sflag:s15] =	ssyncset.done @!p1 $0x0;
	s9 =	smov.u32 s14  }
0x1d: {  	s11 =	sadd.s32 $0x1, s11;
	[sflag:s15] =	ssyncadd.s32 @!p1 $0xFFFFF000;
	s10 =	smov.u32 s16  }
.LBB1_1:
0x1e: {  	p1 =	sge.u32 s11, s5  }
0x1f: {  	s31 =	sadd.s32 $0xFFFFFFFF, s11;
	s14 =	sxor.u32 @!p1 $0xFFFFFFFF, s11  }
0x20: {  	s15 =	sshll.u32 @!p1 s10, $0x9;
	s16 =	sshll.u32 @!p1 s9, $0x4;
	s17 =	simm.s32 @!p1 $0x1000  }
0x21: {  	s14 =	sshll.u32 @!p1 s14, $0xC;
	s16 =	sand.u32 @!p1 $0x1F0, s16;
	s15 =	sadd.s32 @!p1 s6, s15  }
0x22: {  	s14 =	sand.u32 @!p1 $0x1000, s14;
	s15 =	sadd.s32 @!p1 s16, s15;
	s16 =	simm.s32 @!p1 $0x20  }
0x23: {  	[tilespmem:s14], [sflag:$0x1] =	stream.strided.gather @!p1 [hbm4b:s15+s16], $0x1000, s17, s16, $0x38;
	[tilespmem:$0x4040] =	vst v63  }
0x24: {  	p1 =	sge.u32 s31, s5  }
.Ltmp2:
0x25: {  	_ = 	snop;
	(pc) =	sbr.rel @p1 .LBB1_5-.Ltmp2, $1  }
0x26: {  	_ =	sdelay $0x3  }
0x27: {  	s14 =	simm.s32 $0x1  }
0x28: {  	_ =	swait.ge [sflag:s4], $0x1000;
	s14 =	simm.s32 @!p0 $0x0  }
0x29: {  	[sflag:s4] =	ssyncset.done $0x0;
	s15 =	sshll.u32 s14, $0xC  }
0x2a: {  	[sflag:s4] =	ssyncadd.s32 $0xFFFFF000;
	s18 =	sor.u32 $0x10, s15  }
0x2b: {  	s14 =	smul.u32 $0x4080, s14;
	v1 =	vld [tilespmem:s18+$0x0]  }
0x2c: {  	s30 =	sand.u32 $0x1, s11;
	v0 =	vld [tilespmem:s18+$0xFFFFFFF0]  }
0x2d: {  	s15 =	smul.u32 $0x4080, s30;
	s14 =	sshrl.u32 s14, $0x2  }
0x2e: {  	s16 =	sor.u32 $0x2000, s14  }
0x2f: {  	s31 =	sshrl.u32 s15, $0x2;
	s15 =	sadd.s32 $0x0, s16  }
0x30: {  	s17 =	simm.s32 $0x4;
	s18 =	sadd.s32 $0x20, s18;
	s14 =	sor.u32 $0x2000, s31;
	[tilespmem:s15+$0x810 ss:$0x81] =	vst.msk $0xffff, v1  }
.LBB1_3:
0x31: {  	v1 =	vld [tilespmem:s18+$0x0];
	p1 =	sne.s32 s17, $0x1FC;
	[tilespmem:s15+$0x0 ss:$0x81] =	vst.msk $0xffff, v0;
	s15 =	smov.u32 s17;
	s17 =	sadd.s32 $0x4, s17  }
.Ltmp3:
0x32: {  	v0 =	vld [tilespmem:s18+$0xFFFFFFF0];
	(pc) =	sbr.rel @p1 .LBB1_3-.Ltmp3, $4  }
0x33: {  	_ = 	snop  }
0x34: {  	s15 =	sshra.s32 s15, $0x2  }
0x35: {  	s15 =	sadd.s32 s15, s16  }
0x36: {  	s18 =	sadd.s32 $0x20, s18;
	[tilespmem:s15+$0x810 ss:$0x81] =	vst.msk $0xffff, v1  }
.Ltmp4:
0x37: {  	_ = 	snop;
	(pc) =	sbr.rel .LBB1_4-.Ltmp4, $1  }
0x38: {  	_ =	sdelay $0x3  }
.LBB1_6:
0x39: {  	_ =	sfence.sel $0x180000  }
0x3a: {  	s2 =	simm.s32 $0x1;
	[bflag:$0x0] =	sbarrier.arrive $0xFFFF  }
0x3b: {  	s31 =	simm.s32 $0x2;
	[sflag:s2] =	ssyncpa.u1 $0x1  }
0x3c: {  	[sflag:s31] =	ssyncpa.u1 $0x1  }
0x3d: {  	p0 =	sne.s32 s0, $0x0;
	_ =	strace $0x9000004A  }
0x3e: {  	s0 =	sadd.s32 @!p0 $0x100000, s1;
	[bflag:$0x2] =	sbarrier.arrive $0xFFFF  }
0x3f: {  	[sflag:s0] =	ssyncadd.tile.s32 @!p0 $0x1;
	_ =	shalt  }
.Lfunc_end1:
_tile_overlayer_lowered:
.L_overlay_start_2:
0x40: {  	(tag) =	ssettag $0x2  }
0x41: {  	s0 =	rddreg [dreg:$0x0];
	s2 =	stileid.u32  }
0x42: {  	s1 =	rddreg [dreg:$0x1];
	p0 =	sne.s32 s2, $0x0  }
0x43: {  	s3 =	rddreg [dreg:$0x2];
	[bflag:$0x3] =	sbarrier.arrive $0xFFFF;
	s2 =	simm.s32 @!p0 $0x1C01  }
0x44: {  	[timem:s3], [sflag:s2] =	dma.local @!p0 [hbm:s0], s1  }
0x45: {  	s0 =	simm.s32 @!p0 $0x1  }
0x46: {  	_ =	swait.ge @!p0 [sflag:s0], s1  }
0x47: {  	s1 =	ssub.s32 @!p0 $0x0, s1;
	[sflag:s0] =	ssyncset.done @!p0 $0x0  }
0x48: {  	[sflag:s0] =	ssyncadd.s32 @!p0 s1  }
0x49: {  	[bflag:$0x3] =	sbarrier.arrive $0xFFFF  }
0x4a: {  	_ =	shalt  }

</sc_bundles>
